<compile_context>
chip_gen: v7x
topology: tpu7x:2x2x1
jax: 0.10.2.dev20260603
libtpu: 0.0.44.dev20260713+nightly
codegen_flags: <defaults>
</compile_context>

<pallas_src>
import functools

import jax
import jax.numpy as jnp
from jax import lax
from jax.experimental import pallas as pl
from jax.experimental.pallas import tpu as pltpu
from jax.experimental.pallas import tpu_sc as plsc

_THRESH = 0.7
_LOG_THRESH = float(__import__("math").log(0.7))
_MIN_KEPT = 131072

_NC = 2
_NS = 16
_NL = 16
_NTILES = _NC * _NS
_NBINS = 256




def _stats_body(pred_ref, targ_ref, thr_ref, cnt_ref, sum_ref, *, c, log_space):
    t = targ_ref[0]
    s = None
    picked = pred_ref[0, 0]
    for ci in range(c):
        xi = pred_ref[0, ci]
        e = jnp.exp(xi)
        s = e if s is None else s + e
        if ci > 0:
            picked = jnp.where(t == ci, xi, picked)
    logp = picked - jnp.log(s)
    if log_space:
        keep = logp <= thr_ref[0, 0]
    else:
        keep = jnp.exp(logp) <= thr_ref[0, 0]
    cnt_blk = jnp.sum(keep.astype(jnp.float32))
    sum_blk = jnp.sum(jnp.where(keep, -logp, 0.0))

    @pl.when(pl.program_id(0) == 0)
    def _():
        cnt_ref[0, 0] = 0.0
        sum_ref[0, 0] = 0.0

    cnt_ref[0, 0] += cnt_blk
    sum_ref[0, 0] += sum_blk


def _stats(pred, target, thr, log_space, hb=256):
    b, c, h, w = pred.shape
    if h % hb:
        hb = h
    nh = h // hb
    cnt, ssum = pl.pallas_call(
        functools.partial(_stats_body, c=c, log_space=log_space),
        grid=(b * nh,),
        in_specs=[
            pl.BlockSpec((1, c, hb, w), lambda i: (i // nh, 0, i % nh, 0)),
            pl.BlockSpec((1, hb, w), lambda i: (i // nh, i % nh, 0)),
            pl.BlockSpec(memory_space=pltpu.SMEM),
        ],
        out_specs=[
            pl.BlockSpec(memory_space=pltpu.SMEM),
            pl.BlockSpec(memory_space=pltpu.SMEM),
        ],
        out_shape=[
            jax.ShapeDtypeStruct((1, 1), jnp.float32),
            jax.ShapeDtypeStruct((1, 1), jnp.float32),
        ],
    )(pred, target, thr)
    return cnt[0, 0], ssum[0, 0]


def _p_body(pred_ref, targ_ref, p_ref, *, c):
    t = targ_ref[0]
    s = None
    picked = pred_ref[0, 0]
    for ci in range(c):
        xi = pred_ref[0, ci]
        e = jnp.exp(xi)
        s = e if s is None else s + e
        if ci > 0:
            picked = jnp.where(t == ci, xi, picked)
    logp = picked - jnp.log(s)
    p_ref[0] = jnp.exp(logp)


def _compute_p(pred, target, hb=256):
    b, c, h, w = pred.shape
    if h % hb:
        hb = h
    nh = h // hb
    return pl.pallas_call(
        functools.partial(_p_body, c=c),
        grid=(b * nh,),
        in_specs=[
            pl.BlockSpec((1, c, hb, w), lambda i: (i // nh, 0, i % nh, 0)),
            pl.BlockSpec((1, hb, w), lambda i: (i // nh, i % nh, 0)),
        ],
        out_specs=pl.BlockSpec((1, hb, w), lambda i: (i // nh, i % nh, 0)),
        out_shape=jax.ShapeDtypeStruct((b, h, w), jnp.float32),
    )(pred, target)




def _sc_hist(pf, pref16, pass_i):
    n = pf.shape[0]
    chunk = n // _NTILES
    mesh = plsc.VectorSubcoreMesh(
        core_axis_name="c", subcore_axis_name="s",
        num_cores=_NC, num_subcores=_NS,
    )

    @functools.partial(
        pl.kernel,
        mesh=mesh,
        out_type=jax.ShapeDtypeStruct((_NTILES * _NBINS,), jnp.int32),
        compiler_params=pltpu.CompilerParams(needs_layout_passes=False),
        scratch_types=[
            pltpu.VMEM((chunk,), jnp.int32),
            pltpu.VMEM((_NBINS,), jnp.int32),
            pltpu.VMEM((_NL,), jnp.int32),
        ],
    )
    def k(p_hbm, pref_hbm, out_hbm, data_v, hist_v, pref_v):
        wid = lax.axis_index("c") * _NS + lax.axis_index("s")
        pltpu.sync_copy(p_hbm.at[pl.ds(wid * chunk, chunk)], data_v)
        pltpu.sync_copy(pref_hbm, pref_v)
        for j in range(_NBINS // _NL):
            hist_v[pl.ds(j * _NL, _NL)] = jnp.zeros((_NL,), jnp.int32)
        prefv = pref_v[...]
        ones = jnp.ones((_NL,), jnp.int32)

        def body(i, carry):
            bits = data_v[pl.ds(i * _NL, _NL)]
            bin_ = lax.shift_right_logical(bits, 24 - 8 * pass_i) & 255
            if pass_i == 0:
                mask = bits == bits
            else:
                mask = lax.shift_right_logical(bits, 32 - 8 * pass_i) == prefv
            plsc.addupdate_scatter(hist_v, [bin_], ones, mask=mask)
            return carry

        lax.fori_loop(0, chunk // _NL, body, 0)
        pltpu.sync_copy(hist_v, out_hbm.at[pl.ds(wid * _NBINS, _NBINS)])

    return k(pf, pref16)




def _hist_reduce_body(hist_ref, out_ref):
    out_ref[...] = jnp.sum(hist_ref[...], axis=0, keepdims=True)


def _hist_reduce(hist):
    return pl.pallas_call(
        _hist_reduce_body,
        out_shape=jax.ShapeDtypeStruct((1, _NBINS), jnp.int32),
    )(hist.reshape(_NTILES, _NBINS))


def _kth_smallest_sc(pf, rank0):
    bits = lax.bitcast_convert_type(pf, jnp.int32)
    pref = jnp.zeros((), jnp.int32)
    rank = jnp.asarray(rank0, jnp.int32)
    for pass_i in range(4):
        pref16 = jnp.full((_NL,), pref, jnp.int32)
        hist = _sc_hist(bits, pref16, pass_i)
        hsum = _hist_reduce(hist)[0]
        cum = jnp.cumsum(hsum)
        digit = jnp.argmax(cum > rank).astype(jnp.int32)
        below = cum[digit] - hsum[digit]
        rank = rank - below
        pref = pref * 256 + digit
    return lax.bitcast_convert_type(pref, jnp.float32)




def kernel(pred, target):
    b, c, h, w = pred.shape
    n = b * h * w
    k = min(n, _MIN_KEPT)
    thr0 = jnp.full((1, 1), _LOG_THRESH, jnp.float32)
    cnt0, sum0 = _stats(pred, target, thr0, log_space=True)

    def fast():
        return sum0 / jnp.maximum(cnt0, 1.0)

    def slow():
        p = _compute_p(pred, target).reshape(-1)
        kth = _kth_smallest_sc(p, k - 1)
        thr = jnp.maximum(kth, jnp.float32(_THRESH)).reshape(1, 1)
        cnt, ssum = _stats(pred, target, thr, log_space=False)
        return ssum / jnp.maximum(cnt, 1.0)

    return lax.cond(cnt0 >= jnp.float32(k), fast, slow)

# --- scband reference (transcript-rebuilt; emitter-appended) ---
"""Pipeline reference for scband-ohem-cross-entropy2d-tensor-16475494548070 (READ-ONLY COPY).

The authoritative reference and input builder live on the scoring server;
editing this copy changes nothing except your own understanding.
"""

import jax, jax.numpy as jnp
import numpy as np

IGNORE_LABEL = 255
THRESH = 0.7
MIN_KEPT = 131072


def setup_inputs(seed: int = 0) -> dict:
    key = jax.random.key(seed)
    k1, k2 = jax.random.split(key)
    pred = jax.random.normal(k1, (8, 19, 512, 512), dtype=jnp.float32)
    target = jax.random.randint(k2, (8, 512, 512), 0, 19, dtype=jnp.int32)
    return {"pred": pred, "target": target}


def reference(pred, target):
    b, c, h, w = pred.shape
    t = target.reshape(-1)
    valid_mask = t != IGNORE_LABEL
    t0 = t * valid_mask.astype(t.dtype)
    n = t.shape[0]

    # softmax probs, laid out (c, b*h*w) as in the torch code
    prob = jax.nn.softmax(pred, axis=1)
    prob_flat = jnp.transpose(prob, (1, 0, 2, 3)).reshape(c, -1)
    mask_prob = prob_flat[t0, jnp.arange(n)]
    # masked_fill_(~valid_mask, 1) broadcast across c == post-gather where
    mask_prob = jnp.where(valid_mask, mask_prob, 1.0)

    # OHEM: keep at least min_kept hardest (lowest prob) pixels
    sorted_p = jnp.sort(mask_prob)
    kth = sorted_p[min(n, MIN_KEPT) - 1]
    threshold = jnp.where(kth > THRESH, kth, THRESH)
    kept_mask = mask_prob <= threshold
    final_mask = valid_mask & kept_mask

    # cross entropy with ignore_index, mean reduction over kept pixels
    logp = jax.nn.log_softmax(pred, axis=1)
    logp_flat = jnp.transpose(logp, (1, 0, 2, 3)).reshape(c, -1)
    picked = logp_flat[t0, jnp.arange(n)]
    m = final_mask.astype(jnp.float32)
    denom = jnp.maximum(m.sum(), 1.0)
    loss = -(picked * m).sum() / denom
    return loss


if False:  # reference __main__ guard neutralized (emitter)
    out = reference(**setup_inputs())
    print(out)

if __name__ == "__main__":
    import jax
    _d = setup_inputs()
    print(jax.jit(kernel)(*tuple(_d.values())))

</pallas_src>

<mosaic_0001>
#map = affine_map<(d0, d1) -> (0)>
module attributes {stable_mosaic.version = 14 : i64} {
  func.func @k(%arg0: i32, %arg1: i32, %arg2: memref<2097152xi32, #tpu.memory_space<hbm>>, %arg3: memref<16xi32, #tpu.memory_space<hbm>>, %arg4: memref<8192xi32, #tpu.memory_space<hbm>>, %arg5: memref<65536xi32, #tpu.memory_space<vmem>>, %arg6: memref<256xi32, #tpu.memory_space<vmem>>, %arg7: memref<16xi32, #tpu.memory_space<vmem>>) attributes {dimension_semantics = [#tpu.dimension_semantics<core_parallel>, #tpu.dimension_semantics<subcore_parallel>], iteration_bounds = array<i64: 2, 16>, scalar_prefetch = 0 : i64, scratch_operands = 3 : i64, tpu.core_type = #tpu.core_type<sc_vector_subcore>, window_params = [{transform_indices = #map}, {transform_indices = #map}, {transform_indices = #map}]} {
    %mul3A = arith.constant 16 : i32
    %mul3A_0 = arith.muli %arg0, %mul3A : i32
    %add3A = arith.addi %mul3A_0, %arg1 : i32
    %mul3A_1 = arith.constant 65536 : i32
    %mul3A_2 = arith.muli %add3A, %mul3A_1 : i32
    "tpu.region"() ({
      %run_scoped3A = tpu.sem_alloc : memref<!tpu.dma_semaphore, #tpu.memory_space<semaphore_mem>>
      %dma_start3A = tpu.memref_slice %arg2[%mul3A_2] : memref<2097152xi32, #tpu.memory_space<hbm>> -> memref<65536xi32, #tpu.memory_space<hbm>>
      %dma_start3A_75 = tpu.memref_slice %arg2[%mul3A_2] : memref<2097152xi32, #tpu.memory_space<hbm>> -> memref<65536xi32, #tpu.memory_space<hbm>>
      tpu.enqueue_dma source(%dma_start3A_75 : memref<65536xi32, #tpu.memory_space<hbm>>) target(%arg5 : memref<65536xi32, #tpu.memory_space<vmem>>) target_semaphore(%run_scoped3A : memref<!tpu.dma_semaphore, #tpu.memory_space<semaphore_mem>>)
      %dma_wait3A = tpu.memref_slice %arg2[%mul3A_2] : memref<2097152xi32, #tpu.memory_space<hbm>> -> memref<65536xi32, #tpu.memory_space<hbm>>
      %dma_wait3A_76 = tpu.memref_slice %arg2[%mul3A_2] : memref<2097152xi32, #tpu.memory_space<hbm>> -> memref<65536xi32, #tpu.memory_space<hbm>>
      tpu.wait_dma2 semaphore(%run_scoped3A : memref<!tpu.dma_semaphore, #tpu.memory_space<semaphore_mem>>) src(%dma_wait3A_76 : memref<65536xi32, #tpu.memory_space<hbm>>) dst(%arg5 : memref<65536xi32, #tpu.memory_space<vmem>>)
      tpu.yield
    }) : () -> ()
    "tpu.region"() ({
      %run_scoped3A = tpu.sem_alloc : memref<!tpu.dma_semaphore, #tpu.memory_space<semaphore_mem>>
      tpu.enqueue_dma source(%arg3 : memref<16xi32, #tpu.memory_space<hbm>>) target(%arg7 : memref<16xi32, #tpu.memory_space<vmem>>) target_semaphore(%run_scoped3A : memref<!tpu.dma_semaphore, #tpu.memory_space<semaphore_mem>>)
      tpu.wait_dma2 semaphore(%run_scoped3A : memref<!tpu.dma_semaphore, #tpu.memory_space<semaphore_mem>>) src(%arg3 : memref<16xi32, #tpu.memory_space<hbm>>) dst(%arg7 : memref<16xi32, #tpu.memory_space<vmem>>)
      tpu.yield
    }) : () -> ()
    %broadcast_in_dim3A = arith.constant 0 : i32
    %broadcast_in_dim3A_3 = vector.broadcast %broadcast_in_dim3A : i32 to vector<16xi32>
    %swap3A = arith.constant 0 : index
    %swap3A_4 = tpu.vector_load %arg6[%swap3A] {strides = array<i32>} : memref<256xi32, #tpu.memory_space<vmem>>, vector<16xi32>,
    tpu.vector_store %arg6[%swap3A], %broadcast_in_dim3A_3 {strides = array<i32>} : memref<256xi32, #tpu.memory_space<vmem>>, vector<16xi32>,
    %broadcast_in_dim3A_5 = arith.constant 0 : i32
    %broadcast_in_dim3A_6 = vector.broadcast %broadcast_in_dim3A_5 : i32 to vector<16xi32>
    %swap3A_7 = arith.constant 16 : index
    %swap3A_8 = tpu.vector_load %arg6[%swap3A_7] {strides = array<i32>} : memref<256xi32, #tpu.memory_space<vmem>>, vector<16xi32>,
    tpu.vector_store %arg6[%swap3A_7], %broadcast_in_dim3A_6 {strides = array<i32>} : memref<256xi32, #tpu.memory_space<vmem>>, vector<16xi32>,
    %broadcast_in_dim3A_9 = arith.constant 0 : i32
    %broadcast_in_dim3A_10 = vector.broadcast %broadcast_in_dim3A_9 : i32 to vector<16xi32>
    %swap3A_11 = arith.constant 32 : index
    %swap3A_12 = tpu.vector_load %arg6[%swap3A_11] {strides = array<i32>} : memref<256xi32, #tpu.memory_space<vmem>>, vector<16xi32>,
    tpu.vector_store %arg6[%swap3A_11], %broadcast_in_dim3A_10 {strides = array<i32>} : memref<256xi32, #tpu.memory_space<vmem>>, vector<16xi32>,
    %broadcast_in_dim3A_13 = arith.constant 0 : i32
    %broadcast_in_dim3A_14 = vector.broadcast %broadcast_in_dim3A_13 : i32 to vector<16xi32>
    %swap3A_15 = arith.constant 48 : index
    %swap3A_16 = tpu.vector_load %arg6[%swap3A_15] {strides = array<i32>} : memref<256xi32, #tpu.memory_space<vmem>>, vector<16xi32>,
    tpu.vector_store %arg6[%swap3A_15], %broadcast_in_dim3A_14 {strides = array<i32>} : memref<256xi32, #tpu.memory_space<vmem>>, vector<16xi32>,
    %broadcast_in_dim3A_17 = arith.constant 0 : i32
    %broadcast_in_dim3A_18 = vector.broadcast %broadcast_in_dim3A_17 : i32 to vector<16xi32>
    %swap3A_19 = arith.constant 64 : index
    %swap3A_20 = tpu.vector_load %arg6[%swap3A_19] {strides = array<i32>} : memref<256xi32, #tpu.memory_space<vmem>>, vector<16xi32>,
    tpu.vector_store %arg6[%swap3A_19], %broadcast_in_dim3A_18 {strides = array<i32>} : memref<256xi32, #tpu.memory_space<vmem>>, vector<16xi32>,
    %broadcast_in_dim3A_21 = arith.constant 0 : i32
    %broadcast_in_dim3A_22 = vector.broadcast %broadcast_in_dim3A_21 : i32 to vector<16xi32>
    %swap3A_23 = arith.constant 80 : index
    %swap3A_24 = tpu.vector_load %arg6[%swap3A_23] {strides = array<i32>} : memref<256xi32, #tpu.memory_space<vmem>>, vector<16xi32>,
    tpu.vector_store %arg6[%swap3A_23], %broadcast_in_dim3A_22 {strides = array<i32>} : memref<256xi32, #tpu.memory_space<vmem>>, vector<16xi32>,
    %broadcast_in_dim3A_25 = arith.constant 0 : i32
    %broadcast_in_dim3A_26 = vector.broadcast %broadcast_in_dim3A_25 : i32 to vector<16xi32>
    %swap3A_27 = arith.constant 96 : index
    %swap3A_28 = tpu.vector_load %arg6[%swap3A_27] {strides = array<i32>} : memref<256xi32, #tpu.memory_space<vmem>>, vector<16xi32>,
    tpu.vector_store %arg6[%swap3A_27], %broadcast_in_dim3A_26 {strides = array<i32>} : memref<256xi32, #tpu.memory_space<vmem>>, vector<16xi32>,
    %broadcast_in_dim3A_29 = arith.constant 0 : i32
    %broadcast_in_dim3A_30 = vector.broadcast %broadcast_in_dim3A_29 : i32 to vector<16xi32>
    %swap3A_31 = arith.constant 112 : index
    %swap3A_32 = tpu.vector_load %arg6[%swap3A_31] {strides = array<i32>} : memref<256xi32, #tpu.memory_space<vmem>>, vector<16xi32>,
    tpu.vector_store %arg6[%swap3A_31], %broadcast_in_dim3A_30 {strides = array<i32>} : memref<256xi32, #tpu.memory_space<vmem>>, vector<16xi32>,
    %broadcast_in_dim3A_33 = arith.constant 0 : i32
    %broadcast_in_dim3A_34 = vector.broadcast %broadcast_in_dim3A_33 : i32 to vector<16xi32>
    %swap3A_35 = arith.constant 128 : index
    %swap3A_36 = tpu.vector_load %arg6[%swap3A_35] {strides = array<i32>} : memref<256xi32, #tpu.memory_space<vmem>>, vector<16xi32>,
    tpu.vector_store %arg6[%swap3A_35], %broadcast_in_dim3A_34 {strides = array<i32>} : memref<256xi32, #tpu.memory_space<vmem>>, vector<16xi32>,
    %broadcast_in_dim3A_37 = arith.constant 0 : i32
    %broadcast_in_dim3A_38 = vector.broadcast %broadcast_in_dim3A_37 : i32 to vector<16xi32>
    %swap3A_39 = arith.constant 144 : index
    %swap3A_40 = tpu.vector_load %arg6[%swap3A_39] {strides = array<i32>} : memref<256xi32, #tpu.memory_space<vmem>>, vector<16xi32>,
    tpu.vector_store %arg6[%swap3A_39], %broadcast_in_dim3A_38 {strides = array<i32>} : memref<256xi32, #tpu.memory_space<vmem>>, vector<16xi32>,
    %broadcast_in_dim3A_41 = arith.constant 0 : i32
    %broadcast_in_dim3A_42 = vector.broadcast %broadcast_in_dim3A_41 : i32 to vector<16xi32>
    %swap3A_43 = arith.constant 160 : index
    %swap3A_44 = tpu.vector_load %arg6[%swap3A_43] {strides = array<i32>} : memref<256xi32, #tpu.memory_space<vmem>>, vector<16xi32>,
    tpu.vector_store %arg6[%swap3A_43], %broadcast_in_dim3A_42 {strides = array<i32>} : memref<256xi32, #tpu.memory_space<vmem>>, vector<16xi32>,
    %broadcast_in_dim3A_45 = arith.constant 0 : i32
    %broadcast_in_dim3A_46 = vector.broadcast %broadcast_in_dim3A_45 : i32 to vector<16xi32>
    %swap3A_47 = arith.constant 176 : index
    %swap3A_48 = tpu.vector_load %arg6[%swap3A_47] {strides = array<i32>} : memref<256xi32, #tpu.memory_space<vmem>>, vector<16xi32>,
    tpu.vector_store %arg6[%swap3A_47], %broadcast_in_dim3A_46 {strides = array<i32>} : memref<256xi32, #tpu.memory_space<vmem>>, vector<16xi32>,
    %broadcast_in_dim3A_49 = arith.constant 0 : i32
    %broadcast_in_dim3A_50 = vector.broadcast %broadcast_in_dim3A_49 : i32 to vector<16xi32>
    %swap3A_51 = arith.constant 192 : index
    %swap3A_52 = tpu.vector_load %arg6[%swap3A_51] {strides = array<i32>} : memref<256xi32, #tpu.memory_space<vmem>>, vector<16xi32>,
    tpu.vector_store %arg6[%swap3A_51], %broadcast_in_dim3A_50 {strides = array<i32>} : memref<256xi32, #tpu.memory_space<vmem>>, vector<16xi32>,
    %broadcast_in_dim3A_53 = arith.constant 0 : i32
    %broadcast_in_dim3A_54 = vector.broadcast %broadcast_in_dim3A_53 : i32 to vector<16xi32>
    %swap3A_55 = arith.constant 208 : index
    %swap3A_56 = tpu.vector_load %arg6[%swap3A_55] {strides = array<i32>} : memref<256xi32, #tpu.memory_space<vmem>>, vector<16xi32>,
    tpu.vector_store %arg6[%swap3A_55], %broadcast_in_dim3A_54 {strides = array<i32>} : memref<256xi32, #tpu.memory_space<vmem>>, vector<16xi32>,
    %broadcast_in_dim3A_57 = arith.constant 0 : i32
    %broadcast_in_dim3A_58 = vector.broadcast %broadcast_in_dim3A_57 : i32 to vector<16xi32>
    %swap3A_59 = arith.constant 224 : index
    %swap3A_60 = tpu.vector_load %arg6[%swap3A_59] {strides = array<i32>} : memref<256xi32, #tpu.memory_space<vmem>>, vector<16xi32>,
    tpu.vector_store %arg6[%swap3A_59], %broadcast_in_dim3A_58 {strides = array<i32>} : memref<256xi32, #tpu.memory_space<vmem>>, vector<16xi32>,
    %broadcast_in_dim3A_61 = arith.constant 0 : i32
    %broadcast_in_dim3A_62 = vector.broadcast %broadcast_in_dim3A_61 : i32 to vector<16xi32>
    %swap3A_63 = arith.constant 240 : index
    %swap3A_64 = tpu.vector_load %arg6[%swap3A_63] {strides = array<i32>} : memref<256xi32, #tpu.memory_space<vmem>>, vector<16xi32>,
    tpu.vector_store %arg6[%swap3A_63], %broadcast_in_dim3A_62 {strides = array<i32>} : memref<256xi32, #tpu.memory_space<vmem>>, vector<16xi32>,
    %get3A = arith.constant 0 : index
    %get3A_65 = tpu.vector_load %arg7[%get3A] {strides = array<i32>} : memref<16xi32, #tpu.memory_space<vmem>>, vector<16xi32>,
    %broadcast_in_dim3A_66 = arith.constant 1 : i32
    %broadcast_in_dim3A_67 = vector.broadcast %broadcast_in_dim3A_66 : i32 to vector<16xi32>
    %scan3A = arith.constant 0 : i32
    %scan3A_68 = arith.constant 0 : i32
    %scan3A_69 = arith.constant 4096 : i32
    %scan3A_70 = arith.addi %scan3A_68, %scan3A_69 : i32
    %scan3A_71 = arith.constant 1 : i32
    scf.for %scan3A_75 = %scan3A_68 to %scan3A_70 step %scan3A_71  : i32 {
      %mul3A_76 = arith.constant 16 : i32
      %mul3A_77 = arith.muli %scan3A_75, %mul3A_76 : i32
      %get3A_78 = arith.index_cast %mul3A_77 : i32 to index
      %get3A_79 = tpu.vector_load %arg5[%get3A_78] {strides = array<i32>} : memref<65536xi32, #tpu.memory_space<vmem>>, vector<16xi32>,
      %shift_right_logical3A = arith.constant 16 : i32
      %shift_right_logical3A_80 = vector.broadcast %shift_right_logical3A : i32 to vector<16xi32>
      %shift_right_logical3A_81 = arith.shrui %get3A_79, %shift_right_logical3A_80 : vector<16xi32>
      %and3A = arith.constant 255 : i32
      %and3A_82 = vector.broadcast %and3A : i32 to vector<16xi32>
      %and3A_83 = arith.andi %shift_right_logical3A_81, %and3A_82 : vector<16xi32>
      %shift_right_logical3A_84 = arith.constant 24 : i32
      %shift_right_logical3A_85 = vector.broadcast %shift_right_logical3A_84 : i32 to vector<16xi32>
      %shift_right_logical3A_86 = arith.shrui %get3A_79, %shift_right_logical3A_85 : vector<16xi32>
      %eq3A = arith.cmpi eq, %shift_right_logical3A_86, %get3A_65 : vector<16xi32>
      tpu.vector_store_idx %arg6[%and3A_83], %broadcast_in_dim3A_67 masked %eq3A {add = true} : memref<256xi32, #tpu.memory_space<vmem>>[vector<16xi32>], vector<16xi32>, vector<16xi1>
    }
    %scan3A_72 = arith.constant 4096 : i32
    %mul3A_73 = arith.constant 256 : i32
    %mul3A_74 = arith.muli %add3A, %mul3A_73 : i32
    "tpu.region"() ({
      %run_scoped3A = tpu.sem_alloc : memref<!tpu.dma_semaphore, #tpu.memory_space<semaphore_mem>>
      %dma_start3A = tpu.memref_slice %arg4[%mul3A_74] : memref<8192xi32, #tpu.memory_space<hbm>> -> memref<256xi32, #tpu.memory_space<hbm>>
      %dma_start3A_75 = tpu.memref_slice %arg4[%mul3A_74] : memref<8192xi32, #tpu.memory_space<hbm>> -> memref<256xi32, #tpu.memory_space<hbm>>
      tpu.enqueue_dma source(%arg6 : memref<256xi32, #tpu.memory_space<vmem>>) target(%dma_start3A_75 : memref<256xi32, #tpu.memory_space<hbm>>) target_semaphore(%run_scoped3A : memref<!tpu.dma_semaphore, #tpu.memory_space<semaphore_mem>>)
      %dma_wait3A = tpu.memref_slice %arg4[%mul3A_74] : memref<8192xi32, #tpu.memory_space<hbm>> -> memref<256xi32, #tpu.memory_space<hbm>>
      %dma_wait3A_76 = tpu.memref_slice %arg4[%mul3A_74] : memref<8192xi32, #tpu.memory_space<hbm>> -> memref<256xi32, #tpu.memory_space<hbm>>
      tpu.wait_dma2 semaphore(%run_scoped3A : memref<!tpu.dma_semaphore, #tpu.memory_space<semaphore_mem>>) src(%arg6 : memref<256xi32, #tpu.memory_space<vmem>>) dst(%dma_wait3A_76 : memref<256xi32, #tpu.memory_space<hbm>>)
      tpu.yield
    }) : () -> ()
    return
  }
}

#map = affine_map<(d0, d1) -> (0)>
module attributes {stable_mosaic.version = 14 : i64} {
  func.func @k(%arg0: i32, %arg1: i32, %arg2: memref<2097152xi32, #tpu.memory_space<hbm>>, %arg3: memref<16xi32, #tpu.memory_space<hbm>>, %arg4: memref<8192xi32, #tpu.memory_space<hbm>>, %arg5: memref<65536xi32, #tpu.memory_space<vmem>>, %arg6: memref<256xi32, #tpu.memory_space<vmem>>, %arg7: memref<16xi32, #tpu.memory_space<vmem>>) attributes {dimension_semantics = [#tpu.dimension_semantics<core_parallel>, #tpu.dimension_semantics<subcore_parallel>], iteration_bounds = array<i64: 2, 16>, scalar_prefetch = 0 : i64, scratch_operands = 3 : i64, tpu.core_type = #tpu.core_type<sc_vector_subcore>, window_params = [{transform_indices = #map}, {transform_indices = #map}, {transform_indices = #map}]} {
    %mul3A = arith.constant 16 : i32
    %mul3A_0 = arith.muli %arg0, %mul3A : i32
    %add3A = arith.addi %mul3A_0, %arg1 : i32
    %mul3A_1 = arith.constant 65536 : i32
    %mul3A_2 = arith.muli %add3A, %mul3A_1 : i32
    "tpu.region"() ({
      %run_scoped3A = tpu.sem_alloc : memref<!tpu.dma_semaphore, #tpu.memory_space<semaphore_mem>>
      %dma_start3A = tpu.memref_slice %arg2[%mul3A_2] : memref<2097152xi32, #tpu.memory_space<hbm>> -> memref<65536xi32, #tpu.memory_space<hbm>>
      %dma_start3A_75 = tpu.memref_slice %arg2[%mul3A_2] : memref<2097152xi32, #tpu.memory_space<hbm>> -> memref<65536xi32, #tpu.memory_space<hbm>>
      tpu.enqueue_dma source(%dma_start3A_75 : memref<65536xi32, #tpu.memory_space<hbm>>) target(%arg5 : memref<65536xi32, #tpu.memory_space<vmem>>) target_semaphore(%run_scoped3A : memref<!tpu.dma_semaphore, #tpu.memory_space<semaphore_mem>>)
      %dma_wait3A = tpu.memref_slice %arg2[%mul3A_2] : memref<2097152xi32, #tpu.memory_space<hbm>> -> memref<65536xi32, #tpu.memory_space<hbm>>
      %dma_wait3A_76 = tpu.memref_slice %arg2[%mul3A_2] : memref<2097152xi32, #tpu.memory_space<hbm>> -> memref<65536xi32, #tpu.memory_space<hbm>>
      tpu.wait_dma2 semaphore(%run_scoped3A : memref<!tpu.dma_semaphore, #tpu.memory_space<semaphore_mem>>) src(%dma_wait3A_76 : memref<65536xi32, #tpu.memory_space<hbm>>) dst(%arg5 : memref<65536xi32, #tpu.memory_space<vmem>>)
      tpu.yield
    }) : () -> ()
    "tpu.region"() ({
      %run_scoped3A = tpu.sem_alloc : memref<!tpu.dma_semaphore, #tpu.memory_space<semaphore_mem>>
      tpu.enqueue_dma source(%arg3 : memref<16xi32, #tpu.memory_space<hbm>>) target(%arg7 : memref<16xi32, #tpu.memory_space<vmem>>) target_semaphore(%run_scoped3A : memref<!tpu.dma_semaphore, #tpu.memory_space<semaphore_mem>>)
      tpu.wait_dma2 semaphore(%run_scoped3A : memref<!tpu.dma_semaphore, #tpu.memory_space<semaphore_mem>>) src(%arg3 : memref<16xi32, #tpu.memory_space<hbm>>) dst(%arg7 : memref<16xi32, #tpu.memory_space<vmem>>)
      tpu.yield
    }) : () -> ()
    %broadcast_in_dim3A = arith.constant 0 : i32
    %broadcast_in_dim3A_3 = vector.broadcast %broadcast_in_dim3A : i32 to vector<16xi32>
    %swap3A = arith.constant 0 : index
    %swap3A_4 = tpu.vector_load %arg6[%swap3A] {strides = array<i32>} : memref<256xi32, #tpu.memory_space<vmem>>, vector<16xi32>,
    tpu.vector_store %arg6[%swap3A], %broadcast_in_dim3A_3 {strides = array<i32>} : memref<256xi32, #tpu.memory_space<vmem>>, vector<16xi32>,
    %broadcast_in_dim3A_5 = arith.constant 0 : i32
    %broadcast_in_dim3A_6 = vector.broadcast %broadcast_in_dim3A_5 : i32 to vector<16xi32>
    %swap3A_7 = arith.constant 16 : index
    %swap3A_8 = tpu.vector_load %arg6[%swap3A_7] {strides = array<i32>} : memref<256xi32, #tpu.memory_space<vmem>>, vector<16xi32>,
    tpu.vector_store %arg6[%swap3A_7], %broadcast_in_dim3A_6 {strides = array<i32>} : memref<256xi32, #tpu.memory_space<vmem>>, vector<16xi32>,
    %broadcast_in_dim3A_9 = arith.constant 0 : i32
    %broadcast_in_dim3A_10 = vector.broadcast %broadcast_in_dim3A_9 : i32 to vector<16xi32>
    %swap3A_11 = arith.constant 32 : index
    %swap3A_12 = tpu.vector_load %arg6[%swap3A_11] {strides = array<i32>} : memref<256xi32, #tpu.memory_space<vmem>>, vector<16xi32>,
    tpu.vector_store %arg6[%swap3A_11], %broadcast_in_dim3A_10 {strides = array<i32>} : memref<256xi32, #tpu.memory_space<vmem>>, vector<16xi32>,
    %broadcast_in_dim3A_13 = arith.constant 0 : i32
    %broadcast_in_dim3A_14 = vector.broadcast %broadcast_in_dim3A_13 : i32 to vector<16xi32>
    %swap3A_15 = arith.constant 48 : index
    %swap3A_16 = tpu.vector_load %arg6[%swap3A_15] {strides = array<i32>} : memref<256xi32, #tpu.memory_space<vmem>>, vector<16xi32>,
    tpu.vector_store %arg6[%swap3A_15], %broadcast_in_dim3A_14 {strides = array<i32>} : memref<256xi32, #tpu.memory_space<vmem>>, vector<16xi32>,
    %broadcast_in_dim3A_17 = arith.constant 0 : i32
    %broadcast_in_dim3A_18 = vector.broadcast %broadcast_in_dim3A_17 : i32 to vector<16xi32>
    %swap3A_19 = arith.constant 64 : index
    %swap3A_20 = tpu.vector_load %arg6[%swap3A_19] {strides = array<i32>} : memref<256xi32, #tpu.memory_space<vmem>>, vector<16xi32>,
    tpu.vector_store %arg6[%swap3A_19], %broadcast_in_dim3A_18 {strides = array<i32>} : memref<256xi32, #tpu.memory_space<vmem>>, vector<16xi32>,
    %broadcast_in_dim3A_21 = arith.constant 0 : i32
    %broadcast_in_dim3A_22 = vector.broadcast %broadcast_in_dim3A_21 : i32 to vector<16xi32>
    %swap3A_23 = arith.constant 80 : index
    %swap3A_24 = tpu.vector_load %arg6[%swap3A_23] {strides = array<i32>} : memref<256xi32, #tpu.memory_space<vmem>>, vector<16xi32>,
    tpu.vector_store %arg6[%swap3A_23], %broadcast_in_dim3A_22 {strides = array<i32>} : memref<256xi32, #tpu.memory_space<vmem>>, vector<16xi32>,
    %broadcast_in_dim3A_25 = arith.constant 0 : i32
    %broadcast_in_dim3A_26 = vector.broadcast %broadcast_in_dim3A_25 : i32 to vector<16xi32>
    %swap3A_27 = arith.constant 96 : index
    %swap3A_28 = tpu.vector_load %arg6[%swap3A_27] {strides = array<i32>} : memref<256xi32, #tpu.memory_space<vmem>>, vector<16xi32>,
    tpu.vector_store %arg6[%swap3A_27], %broadcast_in_dim3A_26 {strides = array<i32>} : memref<256xi32, #tpu.memory_space<vmem>>, vector<16xi32>,
    %broadcast_in_dim3A_29 = arith.constant 0 : i32
    %broadcast_in_dim3A_30 = vector.broadcast %broadcast_in_dim3A_29 : i32 to vector<16xi32>
    %swap3A_31 = arith.constant 112 : index
    %swap3A_32 = tpu.vector_load %arg6[%swap3A_31] {strides = array<i32>} : memref<256xi32, #tpu.memory_space<vmem>>, vector<16xi32>,
    tpu.vector_store %arg6[%swap3A_31], %broadcast_in_dim3A_30 {strides = array<i32>} : memref<256xi32, #tpu.memory_space<vmem>>, vector<16xi32>,
    %broadcast_in_dim3A_33 = arith.constant 0 : i32
    %broadcast_in_dim3A_34 = vector.broadcast %broadcast_in_dim3A_33 : i32 to vector<16xi32>
    %swap3A_35 = arith.constant 128 : index
    %swap3A_36 = tpu.vector_load %arg6[%swap3A_35] {strides = array<i32>} : memref<256xi32, #tpu.memory_space<vmem>>, vector<16xi32>,
    tpu.vector_store %arg6[%swap3A_35], %broadcast_in_dim3A_34 {strides = array<i32>} : memref<256xi32, #tpu.memory_space<vmem>>, vector<16xi32>,
    %broadcast_in_dim3A_37 = arith.constant 0 : i32
    %broadcast_in_dim3A_38 = vector.broadcast %broadcast_in_dim3A_37 : i32 to vector<16xi32>
    %swap3A_39 = arith.constant 144 : index
    %swap3A_40 = tpu.vector_load %arg6[%swap3A_39] {strides = array<i32>} : memref<256xi32, #tpu.memory_space<vmem>>, vector<16xi32>,
    tpu.vector_store %arg6[%swap3A_39], %broadcast_in_dim3A_38 {strides = array<i32>} : memref<256xi32, #tpu.memory_space<vmem>>, vector<16xi32>,
    %broadcast_in_dim3A_41 = arith.constant 0 : i32
    %broadcast_in_dim3A_42 = vector.broadcast %broadcast_in_dim3A_41 : i32 to vector<16xi32>
    %swap3A_43 = arith.constant 160 : index
    %swap3A_44 = tpu.vector_load %arg6[%swap3A_43] {strides = array<i32>} : memref<256xi32, #tpu.memory_space<vmem>>, vector<16xi32>,
    tpu.vector_store %arg6[%swap3A_43], %broadcast_in_dim3A_42 {strides = array<i32>} : memref<256xi32, #tpu.memory_space<vmem>>, vector<16xi32>,
    %broadcast_in_dim3A_45 = arith.constant 0 : i32
    %broadcast_in_dim3A_46 = vector.broadcast %broadcast_in_dim3A_45 : i32 to vector<16xi32>
    %swap3A_47 = arith.constant 176 : index
    %swap3A_48 = tpu.vector_load %arg6[%swap3A_47] {strides = array<i32>} : memref<256xi32, #tpu.memory_space<vmem>>, vector<16xi32>,
    tpu.vector_store %arg6[%swap3A_47], %broadcast_in_dim3A_46 {strides = array<i32>} : memref<256xi32, #tpu.memory_space<vmem>>, vector<16xi32>,
    %broadcast_in_dim3A_49 = arith.constant 0 : i32
    %broadcast_in_dim3A_50 = vector.broadcast %broadcast_in_dim3A_49 : i32 to vector<16xi32>
    %swap3A_51 = arith.constant 192 : index
    %swap3A_52 = tpu.vector_load %arg6[%swap3A_51] {strides = array<i32>} : memref<256xi32, #tpu.memory_space<vmem>>, vector<16xi32>,
    tpu.vector_store %arg6[%swap3A_51], %broadcast_in_dim3A_50 {strides = array<i32>} : memref<256xi32, #tpu.memory_space<vmem>>, vector<16xi32>,
    %broadcast_in_dim3A_53 = arith.constant 0 : i32
    %broadcast_in_dim3A_54 = vector.broadcast %broadcast_in_dim3A_53 : i32 to vector<16xi32>
    %swap3A_55 = arith.constant 208 : index
    %swap3A_56 = tpu.vector_load %arg6[%swap3A_55] {strides = array<i32>} : memref<256xi32, #tpu.memory_space<vmem>>, vector<16xi32>,
    tpu.vector_store %arg6[%swap3A_55], %broadcast_in_dim3A_54 {strides = array<i32>} : memref<256xi32, #tpu.memory_space<vmem>>, vector<16xi32>,
    %broadcast_in_dim3A_57 = arith.constant 0 : i32
    %broadcast_in_dim3A_58 = vector.broadcast %broadcast_in_dim3A_57 : i32 to vector<16xi32>
    %swap3A_59 = arith.constant 224 : index
    %swap3A_60 = tpu.vector_load %arg6[%swap3A_59] {strides = array<i32>} : memref<256xi32, #tpu.memory_space<vmem>>, vector<16xi32>,
    tpu.vector_store %arg6[%swap3A_59], %broadcast_in_dim3A_58 {strides = array<i32>} : memref<256xi32, #tpu.memory_space<vmem>>, vector<16xi32>,
    %broadcast_in_dim3A_61 = arith.constant 0 : i32
    %broadcast_in_dim3A_62 = vector.broadcast %broadcast_in_dim3A_61 : i32 to vector<16xi32>
    %swap3A_63 = arith.constant 240 : index
    %swap3A_64 = tpu.vector_load %arg6[%swap3A_63] {strides = array<i32>} : memref<256xi32, #tpu.memory_space<vmem>>, vector<16xi32>,
    tpu.vector_store %arg6[%swap3A_63], %broadcast_in_dim3A_62 {strides = array<i32>} : memref<256xi32, #tpu.memory_space<vmem>>, vector<16xi32>,
    %get3A = arith.constant 0 : index
    %get3A_65 = tpu.vector_load %arg7[%get3A] {strides = array<i32>} : memref<16xi32, #tpu.memory_space<vmem>>, vector<16xi32>,
    %broadcast_in_dim3A_66 = arith.constant 1 : i32
    %broadcast_in_dim3A_67 = vector.broadcast %broadcast_in_dim3A_66 : i32 to vector<16xi32>
    %scan3A = arith.constant 0 : i32
    %scan3A_68 = arith.constant 0 : i32
    %scan3A_69 = arith.constant 4096 : i32
    %scan3A_70 = arith.addi %scan3A_68, %scan3A_69 : i32
    %scan3A_71 = arith.constant 1 : i32
    scf.for %scan3A_75 = %scan3A_68 to %scan3A_70 step %scan3A_71  : i32 {
      %mul3A_76 = arith.constant 16 : i32
      %mul3A_77 = arith.muli %scan3A_75, %mul3A_76 : i32
      %get3A_78 = arith.index_cast %mul3A_77 : i32 to index
      %get3A_79 = tpu.vector_load %arg5[%get3A_78] {strides = array<i32>} : memref<65536xi32, #tpu.memory_space<vmem>>, vector<16xi32>,
      %shift_right_logical3A = arith.constant 24 : i32
      %shift_right_logical3A_80 = vector.broadcast %shift_right_logical3A : i32 to vector<16xi32>
      %shift_right_logical3A_81 = arith.shrui %get3A_79, %shift_right_logical3A_80 : vector<16xi32>
      %and3A = arith.constant 255 : i32
      %and3A_82 = vector.broadcast %and3A : i32 to vector<16xi32>
      %and3A_83 = arith.andi %shift_right_logical3A_81, %and3A_82 : vector<16xi32>
      %eq3A = arith.cmpi eq, %get3A_79, %get3A_79 : vector<16xi32>
      tpu.vector_store_idx %arg6[%and3A_83], %broadcast_in_dim3A_67 masked %eq3A {add = true} : memref<256xi32, #tpu.memory_space<vmem>>[vector<16xi32>], vector<16xi32>, vector<16xi1>
    }
    %scan3A_72 = arith.constant 4096 : i32
    %mul3A_73 = arith.constant 256 : i32
    %mul3A_74 = arith.muli %add3A, %mul3A_73 : i32
    "tpu.region"() ({
      %run_scoped3A = tpu.sem_alloc : memref<!tpu.dma_semaphore, #tpu.memory_space<semaphore_mem>>
      %dma_start3A = tpu.memref_slice %arg4[%mul3A_74] : memref<8192xi32, #tpu.memory_space<hbm>> -> memref<256xi32, #tpu.memory_space<hbm>>
      %dma_start3A_75 = tpu.memref_slice %arg4[%mul3A_74] : memref<8192xi32, #tpu.memory_space<hbm>> -> memref<256xi32, #tpu.memory_space<hbm>>
      tpu.enqueue_dma source(%arg6 : memref<256xi32, #tpu.memory_space<vmem>>) target(%dma_start3A_75 : memref<256xi32, #tpu.memory_space<hbm>>) target_semaphore(%run_scoped3A : memref<!tpu.dma_semaphore, #tpu.memory_space<semaphore_mem>>)
      %dma_wait3A = tpu.memref_slice %arg4[%mul3A_74] : memref<8192xi32, #tpu.memory_space<hbm>> -> memref<256xi32, #tpu.memory_space<hbm>>
      %dma_wait3A_76 = tpu.memref_slice %arg4[%mul3A_74] : memref<8192xi32, #tpu.memory_space<hbm>> -> memref<256xi32, #tpu.memory_space<hbm>>
      tpu.wait_dma2 semaphore(%run_scoped3A : memref<!tpu.dma_semaphore, #tpu.memory_space<semaphore_mem>>) src(%arg6 : memref<256xi32, #tpu.memory_space<vmem>>) dst(%dma_wait3A_76 : memref<256xi32, #tpu.memory_space<hbm>>)
      tpu.yield
    }) : () -> ()
    return
  }
}

#map = affine_map<(d0, d1) -> (0)>
module attributes {stable_mosaic.version = 14 : i64} {
  func.func @k(%arg0: i32, %arg1: i32, %arg2: memref<2097152xi32, #tpu.memory_space<hbm>>, %arg3: memref<16xi32, #tpu.memory_space<hbm>>, %arg4: memref<8192xi32, #tpu.memory_space<hbm>>, %arg5: memref<65536xi32, #tpu.memory_space<vmem>>, %arg6: memref<256xi32, #tpu.memory_space<vmem>>, %arg7: memref<16xi32, #tpu.memory_space<vmem>>) attributes {dimension_semantics = [#tpu.dimension_semantics<core_parallel>, #tpu.dimension_semantics<subcore_parallel>], iteration_bounds = array<i64: 2, 16>, scalar_prefetch = 0 : i64, scratch_operands = 3 : i64, tpu.core_type = #tpu.core_type<sc_vector_subcore>, window_params = [{transform_indices = #map}, {transform_indices = #map}, {transform_indices = #map}]} {
    %mul3A = arith.constant 16 : i32
    %mul3A_0 = arith.muli %arg0, %mul3A : i32
    %add3A = arith.addi %mul3A_0, %arg1 : i32
    %mul3A_1 = arith.constant 65536 : i32
    %mul3A_2 = arith.muli %add3A, %mul3A_1 : i32
    "tpu.region"() ({
      %run_scoped3A = tpu.sem_alloc : memref<!tpu.dma_semaphore, #tpu.memory_space<semaphore_mem>>
      %dma_start3A = tpu.memref_slice %arg2[%mul3A_2] : memref<2097152xi32, #tpu.memory_space<hbm>> -> memref<65536xi32, #tpu.memory_space<hbm>>
      %dma_start3A_75 = tpu.memref_slice %arg2[%mul3A_2] : memref<2097152xi32, #tpu.memory_space<hbm>> -> memref<65536xi32, #tpu.memory_space<hbm>>
      tpu.enqueue_dma source(%dma_start3A_75 : memref<65536xi32, #tpu.memory_space<hbm>>) target(%arg5 : memref<65536xi32, #tpu.memory_space<vmem>>) target_semaphore(%run_scoped3A : memref<!tpu.dma_semaphore, #tpu.memory_space<semaphore_mem>>)
      %dma_wait3A = tpu.memref_slice %arg2[%mul3A_2] : memref<2097152xi32, #tpu.memory_space<hbm>> -> memref<65536xi32, #tpu.memory_space<hbm>>
      %dma_wait3A_76 = tpu.memref_slice %arg2[%mul3A_2] : memref<2097152xi32, #tpu.memory_space<hbm>> -> memref<65536xi32, #tpu.memory_space<hbm>>
      tpu.wait_dma2 semaphore(%run_scoped3A : memref<!tpu.dma_semaphore, #tpu.memory_space<semaphore_mem>>) src(%dma_wait3A_76 : memref<65536xi32, #tpu.memory_space<hbm>>) dst(%arg5 : memref<65536xi32, #tpu.memory_space<vmem>>)
      tpu.yield
    }) : () -> ()
    "tpu.region"() ({
      %run_scoped3A = tpu.sem_alloc : memref<!tpu.dma_semaphore, #tpu.memory_space<semaphore_mem>>
      tpu.enqueue_dma source(%arg3 : memref<16xi32, #tpu.memory_space<hbm>>) target(%arg7 : memref<16xi32, #tpu.memory_space<vmem>>) target_semaphore(%run_scoped3A : memref<!tpu.dma_semaphore, #tpu.memory_space<semaphore_mem>>)
      tpu.wait_dma2 semaphore(%run_scoped3A : memref<!tpu.dma_semaphore, #tpu.memory_space<semaphore_mem>>) src(%arg3 : memref<16xi32, #tpu.memory_space<hbm>>) dst(%arg7 : memref<16xi32, #tpu.memory_space<vmem>>)
      tpu.yield
    }) : () -> ()
    %broadcast_in_dim3A = arith.constant 0 : i32
    %broadcast_in_dim3A_3 = vector.broadcast %broadcast_in_dim3A : i32 to vector<16xi32>
    %swap3A = arith.constant 0 : index
    %swap3A_4 = tpu.vector_load %arg6[%swap3A] {strides = array<i32>} : memref<256xi32, #tpu.memory_space<vmem>>, vector<16xi32>,
    tpu.vector_store %arg6[%swap3A], %broadcast_in_dim3A_3 {strides = array<i32>} : memref<256xi32, #tpu.memory_space<vmem>>, vector<16xi32>,
    %broadcast_in_dim3A_5 = arith.constant 0 : i32
    %broadcast_in_dim3A_6 = vector.broadcast %broadcast_in_dim3A_5 : i32 to vector<16xi32>
    %swap3A_7 = arith.constant 16 : index
    %swap3A_8 = tpu.vector_load %arg6[%swap3A_7] {strides = array<i32>} : memref<256xi32, #tpu.memory_space<vmem>>, vector<16xi32>,
    tpu.vector_store %arg6[%swap3A_7], %broadcast_in_dim3A_6 {strides = array<i32>} : memref<256xi32, #tpu.memory_space<vmem>>, vector<16xi32>,
    %broadcast_in_dim3A_9 = arith.constant 0 : i32
    %broadcast_in_dim3A_10 = vector.broadcast %broadcast_in_dim3A_9 : i32 to vector<16xi32>
    %swap3A_11 = arith.constant 32 : index
    %swap3A_12 = tpu.vector_load %arg6[%swap3A_11] {strides = array<i32>} : memref<256xi32, #tpu.memory_space<vmem>>, vector<16xi32>,
    tpu.vector_store %arg6[%swap3A_11], %broadcast_in_dim3A_10 {strides = array<i32>} : memref<256xi32, #tpu.memory_space<vmem>>, vector<16xi32>,
    %broadcast_in_dim3A_13 = arith.constant 0 : i32
    %broadcast_in_dim3A_14 = vector.broadcast %broadcast_in_dim3A_13 : i32 to vector<16xi32>
    %swap3A_15 = arith.constant 48 : index
    %swap3A_16 = tpu.vector_load %arg6[%swap3A_15] {strides = array<i32>} : memref<256xi32, #tpu.memory_space<vmem>>, vector<16xi32>,
    tpu.vector_store %arg6[%swap3A_15], %broadcast_in_dim3A_14 {strides = array<i32>} : memref<256xi32, #tpu.memory_space<vmem>>, vector<16xi32>,
    %broadcast_in_dim3A_17 = arith.constant 0 : i32
    %broadcast_in_dim3A_18 = vector.broadcast %broadcast_in_dim3A_17 : i32 to vector<16xi32>
    %swap3A_19 = arith.constant 64 : index
    %swap3A_20 = tpu.vector_load %arg6[%swap3A_19] {strides = array<i32>} : memref<256xi32, #tpu.memory_space<vmem>>, vector<16xi32>,
    tpu.vector_store %arg6[%swap3A_19], %broadcast_in_dim3A_18 {strides = array<i32>} : memref<256xi32, #tpu.memory_space<vmem>>, vector<16xi32>,
    %broadcast_in_dim3A_21 = arith.constant 0 : i32
    %broadcast_in_dim3A_22 = vector.broadcast %broadcast_in_dim3A_21 : i32 to vector<16xi32>
    %swap3A_23 = arith.constant 80 : index
    %swap3A_24 = tpu.vector_load %arg6[%swap3A_23] {strides = array<i32>} : memref<256xi32, #tpu.memory_space<vmem>>, vector<16xi32>,
    tpu.vector_store %arg6[%swap3A_23], %broadcast_in_dim3A_22 {strides = array<i32>} : memref<256xi32, #tpu.memory_space<vmem>>, vector<16xi32>,
    %broadcast_in_dim3A_25 = arith.constant 0 : i32
    %broadcast_in_dim3A_26 = vector.broadcast %broadcast_in_dim3A_25 : i32 to vector<16xi32>
    %swap3A_27 = arith.constant 96 : index
    %swap3A_28 = tpu.vector_load %arg6[%swap3A_27] {strides = array<i32>} : memref<256xi32, #tpu.memory_space<vmem>>, vector<16xi32>,
    tpu.vector_store %arg6[%swap3A_27], %broadcast_in_dim3A_26 {strides = array<i32>} : memref<256xi32, #tpu.memory_space<vmem>>, vector<16xi32>,
    %broadcast_in_dim3A_29 = arith.constant 0 : i32
    %broadcast_in_dim3A_30 = vector.broadcast %broadcast_in_dim3A_29 : i32 to vector<16xi32>
    %swap3A_31 = arith.constant 112 : index
    %swap3A_32 = tpu.vector_load %arg6[%swap3A_31] {strides = array<i32>} : memref<256xi32, #tpu.memory_space<vmem>>, vector<16xi32>,
    tpu.vector_store %arg6[%swap3A_31], %broadcast_in_dim3A_30 {strides = array<i32>} : memref<256xi32, #tpu.memory_space<vmem>>, vector<16xi32>,
    %broadcast_in_dim3A_33 = arith.constant 0 : i32
    %broadcast_in_dim3A_34 = vector.broadcast %broadcast_in_dim3A_33 : i32 to vector<16xi32>
    %swap3A_35 = arith.constant 128 : index
    %swap3A_36 = tpu.vector_load %arg6[%swap3A_35] {strides = array<i32>} : memref<256xi32, #tpu.memory_space<vmem>>, vector<16xi32>,
    tpu.vector_store %arg6[%swap3A_35], %broadcast_in_dim3A_34 {strides = array<i32>} : memref<256xi32, #tpu.memory_space<vmem>>, vector<16xi32>,
    %broadcast_in_dim3A_37 = arith.constant 0 : i32
    %broadcast_in_dim3A_38 = vector.broadcast %broadcast_in_dim3A_37 : i32 to vector<16xi32>
    %swap3A_39 = arith.constant 144 : index
    %swap3A_40 = tpu.vector_load %arg6[%swap3A_39] {strides = array<i32>} : memref<256xi32, #tpu.memory_space<vmem>>, vector<16xi32>,
    tpu.vector_store %arg6[%swap3A_39], %broadcast_in_dim3A_38 {strides = array<i32>} : memref<256xi32, #tpu.memory_space<vmem>>, vector<16xi32>,
    %broadcast_in_dim3A_41 = arith.constant 0 : i32
    %broadcast_in_dim3A_42 = vector.broadcast %broadcast_in_dim3A_41 : i32 to vector<16xi32>
    %swap3A_43 = arith.constant 160 : index
    %swap3A_44 = tpu.vector_load %arg6[%swap3A_43] {strides = array<i32>} : memref<256xi32, #tpu.memory_space<vmem>>, vector<16xi32>,
    tpu.vector_store %arg6[%swap3A_43], %broadcast_in_dim3A_42 {strides = array<i32>} : memref<256xi32, #tpu.memory_space<vmem>>, vector<16xi32>,
    %broadcast_in_dim3A_45 = arith.constant 0 : i32
    %broadcast_in_dim3A_46 = vector.broadcast %broadcast_in_dim3A_45 : i32 to vector<16xi32>
    %swap3A_47 = arith.constant 176 : index
    %swap3A_48 = tpu.vector_load %arg6[%swap3A_47] {strides = array<i32>} : memref<256xi32, #tpu.memory_space<vmem>>, vector<16xi32>,
    tpu.vector_store %arg6[%swap3A_47], %broadcast_in_dim3A_46 {strides = array<i32>} : memref<256xi32, #tpu.memory_space<vmem>>, vector<16xi32>,
    %broadcast_in_dim3A_49 = arith.constant 0 : i32
    %broadcast_in_dim3A_50 = vector.broadcast %broadcast_in_dim3A_49 : i32 to vector<16xi32>
    %swap3A_51 = arith.constant 192 : index
    %swap3A_52 = tpu.vector_load %arg6[%swap3A_51] {strides = array<i32>} : memref<256xi32, #tpu.memory_space<vmem>>, vector<16xi32>,
    tpu.vector_store %arg6[%swap3A_51], %broadcast_in_dim3A_50 {strides = array<i32>} : memref<256xi32, #tpu.memory_space<vmem>>, vector<16xi32>,
    %broadcast_in_dim3A_53 = arith.constant 0 : i32
    %broadcast_in_dim3A_54 = vector.broadcast %broadcast_in_dim3A_53 : i32 to vector<16xi32>
    %swap3A_55 = arith.constant 208 : index
    %swap3A_56 = tpu.vector_load %arg6[%swap3A_55] {strides = array<i32>} : memref<256xi32, #tpu.memory_space<vmem>>, vector<16xi32>,
    tpu.vector_store %arg6[%swap3A_55], %broadcast_in_dim3A_54 {strides = array<i32>} : memref<256xi32, #tpu.memory_space<vmem>>, vector<16xi32>,
    %broadcast_in_dim3A_57 = arith.constant 0 : i32
    %broadcast_in_dim3A_58 = vector.broadcast %broadcast_in_dim3A_57 : i32 to vector<16xi32>
    %swap3A_59 = arith.constant 224 : index
    %swap3A_60 = tpu.vector_load %arg6[%swap3A_59] {strides = array<i32>} : memref<256xi32, #tpu.memory_space<vmem>>, vector<16xi32>,
    tpu.vector_store %arg6[%swap3A_59], %broadcast_in_dim3A_58 {strides = array<i32>} : memref<256xi32, #tpu.memory_space<vmem>>, vector<16xi32>,
    %broadcast_in_dim3A_61 = arith.constant 0 : i32
    %broadcast_in_dim3A_62 = vector.broadcast %broadcast_in_dim3A_61 : i32 to vector<16xi32>
    %swap3A_63 = arith.constant 240 : index
    %swap3A_64 = tpu.vector_load %arg6[%swap3A_63] {strides = array<i32>} : memref<256xi32, #tpu.memory_space<vmem>>, vector<16xi32>,
    tpu.vector_store %arg6[%swap3A_63], %broadcast_in_dim3A_62 {strides = array<i32>} : memref<256xi32, #tpu.memory_space<vmem>>, vector<16xi32>,
    %get3A = arith.constant 0 : index
    %get3A_65 = tpu.vector_load %arg7[%get3A] {strides = array<i32>} : memref<16xi32, #tpu.memory_space<vmem>>, vector<16xi32>,
    %broadcast_in_dim3A_66 = arith.constant 1 : i32
    %broadcast_in_dim3A_67 = vector.broadcast %broadcast_in_dim3A_66 : i32 to vector<16xi32>
    %scan3A = arith.constant 0 : i32
    %scan3A_68 = arith.constant 0 : i32
    %scan3A_69 = arith.constant 4096 : i32
    %scan3A_70 = arith.addi %scan3A_68, %scan3A_69 : i32
    %scan3A_71 = arith.constant 1 : i32
    scf.for %scan3A_75 = %scan3A_68 to %scan3A_70 step %scan3A_71  : i32 {
      %mul3A_76 = arith.constant 16 : i32
      %mul3A_77 = arith.muli %scan3A_75, %mul3A_76 : i32
      %get3A_78 = arith.index_cast %mul3A_77 : i32 to index
      %get3A_79 = tpu.vector_load %arg5[%get3A_78] {strides = array<i32>} : memref<65536xi32, #tpu.memory_space<vmem>>, vector<16xi32>,
      %shift_right_logical3A = arith.constant 0 : i32
      %shift_right_logical3A_80 = vector.broadcast %shift_right_logical3A : i32 to vector<16xi32>
      %shift_right_logical3A_81 = arith.shrui %get3A_79, %shift_right_logical3A_80 : vector<16xi32>
      %and3A = arith.constant 255 : i32
      %and3A_82 = vector.broadcast %and3A : i32 to vector<16xi32>
      %and3A_83 = arith.andi %shift_right_logical3A_81, %and3A_82 : vector<16xi32>
      %shift_right_logical3A_84 = arith.constant 8 : i32
      %shift_right_logical3A_85 = vector.broadcast %shift_right_logical3A_84 : i32 to vector<16xi32>
      %shift_right_logical3A_86 = arith.shrui %get3A_79, %shift_right_logical3A_85 : vector<16xi32>
      %eq3A = arith.cmpi eq, %shift_right_logical3A_86, %get3A_65 : vector<16xi32>
      tpu.vector_store_idx %arg6[%and3A_83], %broadcast_in_dim3A_67 masked %eq3A {add = true} : memref<256xi32, #tpu.memory_space<vmem>>[vector<16xi32>], vector<16xi32>, vector<16xi1>
    }
    %scan3A_72 = arith.constant 4096 : i32
    %mul3A_73 = arith.constant 256 : i32
    %mul3A_74 = arith.muli %add3A, %mul3A_73 : i32
    "tpu.region"() ({
      %run_scoped3A = tpu.sem_alloc : memref<!tpu.dma_semaphore, #tpu.memory_space<semaphore_mem>>
      %dma_start3A = tpu.memref_slice %arg4[%mul3A_74] : memref<8192xi32, #tpu.memory_space<hbm>> -> memref<256xi32, #tpu.memory_space<hbm>>
      %dma_start3A_75 = tpu.memref_slice %arg4[%mul3A_74] : memref<8192xi32, #tpu.memory_space<hbm>> -> memref<256xi32, #tpu.memory_space<hbm>>
      tpu.enqueue_dma source(%arg6 : memref<256xi32, #tpu.memory_space<vmem>>) target(%dma_start3A_75 : memref<256xi32, #tpu.memory_space<hbm>>) target_semaphore(%run_scoped3A : memref<!tpu.dma_semaphore, #tpu.memory_space<semaphore_mem>>)
      %dma_wait3A = tpu.memref_slice %arg4[%mul3A_74] : memref<8192xi32, #tpu.memory_space<hbm>> -> memref<256xi32, #tpu.memory_space<hbm>>
      %dma_wait3A_76 = tpu.memref_slice %arg4[%mul3A_74] : memref<8192xi32, #tpu.memory_space<hbm>> -> memref<256xi32, #tpu.memory_space<hbm>>
      tpu.wait_dma2 semaphore(%run_scoped3A : memref<!tpu.dma_semaphore, #tpu.memory_space<semaphore_mem>>) src(%arg6 : memref<256xi32, #tpu.memory_space<vmem>>) dst(%dma_wait3A_76 : memref<256xi32, #tpu.memory_space<hbm>>)
      tpu.yield
    }) : () -> ()
    return
  }
}

#map = affine_map<(d0, d1) -> (0)>
module attributes {stable_mosaic.version = 14 : i64} {
  func.func @k(%arg0: i32, %arg1: i32, %arg2: memref<2097152xi32, #tpu.memory_space<hbm>>, %arg3: memref<16xi32, #tpu.memory_space<hbm>>, %arg4: memref<8192xi32, #tpu.memory_space<hbm>>, %arg5: memref<65536xi32, #tpu.memory_space<vmem>>, %arg6: memref<256xi32, #tpu.memory_space<vmem>>, %arg7: memref<16xi32, #tpu.memory_space<vmem>>) attributes {dimension_semantics = [#tpu.dimension_semantics<core_parallel>, #tpu.dimension_semantics<subcore_parallel>], iteration_bounds = array<i64: 2, 16>, scalar_prefetch = 0 : i64, scratch_operands = 3 : i64, tpu.core_type = #tpu.core_type<sc_vector_subcore>, window_params = [{transform_indices = #map}, {transform_indices = #map}, {transform_indices = #map}]} {
    %mul3A = arith.constant 16 : i32
    %mul3A_0 = arith.muli %arg0, %mul3A : i32
    %add3A = arith.addi %mul3A_0, %arg1 : i32
    %mul3A_1 = arith.constant 65536 : i32
    %mul3A_2 = arith.muli %add3A, %mul3A_1 : i32
    "tpu.region"() ({
      %run_scoped3A = tpu.sem_alloc : memref<!tpu.dma_semaphore, #tpu.memory_space<semaphore_mem>>
      %dma_start3A = tpu.memref_slice %arg2[%mul3A_2] : memref<2097152xi32, #tpu.memory_space<hbm>> -> memref<65536xi32, #tpu.memory_space<hbm>>
      %dma_start3A_75 = tpu.memref_slice %arg2[%mul3A_2] : memref<2097152xi32, #tpu.memory_space<hbm>> -> memref<65536xi32, #tpu.memory_space<hbm>>
      tpu.enqueue_dma source(%dma_start3A_75 : memref<65536xi32, #tpu.memory_space<hbm>>) target(%arg5 : memref<65536xi32, #tpu.memory_space<vmem>>) target_semaphore(%run_scoped3A : memref<!tpu.dma_semaphore, #tpu.memory_space<semaphore_mem>>)
      %dma_wait3A = tpu.memref_slice %arg2[%mul3A_2] : memref<2097152xi32, #tpu.memory_space<hbm>> -> memref<65536xi32, #tpu.memory_space<hbm>>
      %dma_wait3A_76 = tpu.memref_slice %arg2[%mul3A_2] : memref<2097152xi32, #tpu.memory_space<hbm>> -> memref<65536xi32, #tpu.memory_space<hbm>>
      tpu.wait_dma2 semaphore(%run_scoped3A : memref<!tpu.dma_semaphore, #tpu.memory_space<semaphore_mem>>) src(%dma_wait3A_76 : memref<65536xi32, #tpu.memory_space<hbm>>) dst(%arg5 : memref<65536xi32, #tpu.memory_space<vmem>>)
      tpu.yield
    }) : () -> ()
    "tpu.region"() ({
      %run_scoped3A = tpu.sem_alloc : memref<!tpu.dma_semaphore, #tpu.memory_space<semaphore_mem>>
      tpu.enqueue_dma source(%arg3 : memref<16xi32, #tpu.memory_space<hbm>>) target(%arg7 : memref<16xi32, #tpu.memory_space<vmem>>) target_semaphore(%run_scoped3A : memref<!tpu.dma_semaphore, #tpu.memory_space<semaphore_mem>>)
      tpu.wait_dma2 semaphore(%run_scoped3A : memref<!tpu.dma_semaphore, #tpu.memory_space<semaphore_mem>>) src(%arg3 : memref<16xi32, #tpu.memory_space<hbm>>) dst(%arg7 : memref<16xi32, #tpu.memory_space<vmem>>)
      tpu.yield
    }) : () -> ()
    %broadcast_in_dim3A = arith.constant 0 : i32
    %broadcast_in_dim3A_3 = vector.broadcast %broadcast_in_dim3A : i32 to vector<16xi32>
    %swap3A = arith.constant 0 : index
    %swap3A_4 = tpu.vector_load %arg6[%swap3A] {strides = array<i32>} : memref<256xi32, #tpu.memory_space<vmem>>, vector<16xi32>,
    tpu.vector_store %arg6[%swap3A], %broadcast_in_dim3A_3 {strides = array<i32>} : memref<256xi32, #tpu.memory_space<vmem>>, vector<16xi32>,
    %broadcast_in_dim3A_5 = arith.constant 0 : i32
    %broadcast_in_dim3A_6 = vector.broadcast %broadcast_in_dim3A_5 : i32 to vector<16xi32>
    %swap3A_7 = arith.constant 16 : index
    %swap3A_8 = tpu.vector_load %arg6[%swap3A_7] {strides = array<i32>} : memref<256xi32, #tpu.memory_space<vmem>>, vector<16xi32>,
    tpu.vector_store %arg6[%swap3A_7], %broadcast_in_dim3A_6 {strides = array<i32>} : memref<256xi32, #tpu.memory_space<vmem>>, vector<16xi32>,
    %broadcast_in_dim3A_9 = arith.constant 0 : i32
    %broadcast_in_dim3A_10 = vector.broadcast %broadcast_in_dim3A_9 : i32 to vector<16xi32>
    %swap3A_11 = arith.constant 32 : index
    %swap3A_12 = tpu.vector_load %arg6[%swap3A_11] {strides = array<i32>} : memref<256xi32, #tpu.memory_space<vmem>>, vector<16xi32>,
    tpu.vector_store %arg6[%swap3A_11], %broadcast_in_dim3A_10 {strides = array<i32>} : memref<256xi32, #tpu.memory_space<vmem>>, vector<16xi32>,
    %broadcast_in_dim3A_13 = arith.constant 0 : i32
    %broadcast_in_dim3A_14 = vector.broadcast %broadcast_in_dim3A_13 : i32 to vector<16xi32>
    %swap3A_15 = arith.constant 48 : index
    %swap3A_16 = tpu.vector_load %arg6[%swap3A_15] {strides = array<i32>} : memref<256xi32, #tpu.memory_space<vmem>>, vector<16xi32>,
    tpu.vector_store %arg6[%swap3A_15], %broadcast_in_dim3A_14 {strides = array<i32>} : memref<256xi32, #tpu.memory_space<vmem>>, vector<16xi32>,
    %broadcast_in_dim3A_17 = arith.constant 0 : i32
    %broadcast_in_dim3A_18 = vector.broadcast %broadcast_in_dim3A_17 : i32 to vector<16xi32>
    %swap3A_19 = arith.constant 64 : index
    %swap3A_20 = tpu.vector_load %arg6[%swap3A_19] {strides = array<i32>} : memref<256xi32, #tpu.memory_space<vmem>>, vector<16xi32>,
    tpu.vector_store %arg6[%swap3A_19], %broadcast_in_dim3A_18 {strides = array<i32>} : memref<256xi32, #tpu.memory_space<vmem>>, vector<16xi32>,
    %broadcast_in_dim3A_21 = arith.constant 0 : i32
    %broadcast_in_dim3A_22 = vector.broadcast %broadcast_in_dim3A_21 : i32 to vector<16xi32>
    %swap3A_23 = arith.constant 80 : index
    %swap3A_24 = tpu.vector_load %arg6[%swap3A_23] {strides = array<i32>} : memref<256xi32, #tpu.memory_space<vmem>>, vector<16xi32>,
    tpu.vector_store %arg6[%swap3A_23], %broadcast_in_dim3A_22 {strides = array<i32>} : memref<256xi32, #tpu.memory_space<vmem>>, vector<16xi32>,
    %broadcast_in_dim3A_25 = arith.constant 0 : i32
    %broadcast_in_dim3A_26 = vector.broadcast %broadcast_in_dim3A_25 : i32 to vector<16xi32>
    %swap3A_27 = arith.constant 96 : index
    %swap3A_28 = tpu.vector_load %arg6[%swap3A_27] {strides = array<i32>} : memref<256xi32, #tpu.memory_space<vmem>>, vector<16xi32>,
    tpu.vector_store %arg6[%swap3A_27], %broadcast_in_dim3A_26 {strides = array<i32>} : memref<256xi32, #tpu.memory_space<vmem>>, vector<16xi32>,
    %broadcast_in_dim3A_29 = arith.constant 0 : i32
    %broadcast_in_dim3A_30 = vector.broadcast %broadcast_in_dim3A_29 : i32 to vector<16xi32>
    %swap3A_31 = arith.constant 112 : index
    %swap3A_32 = tpu.vector_load %arg6[%swap3A_31] {strides = array<i32>} : memref<256xi32, #tpu.memory_space<vmem>>, vector<16xi32>,
    tpu.vector_store %arg6[%swap3A_31], %broadcast_in_dim3A_30 {strides = array<i32>} : memref<256xi32, #tpu.memory_space<vmem>>, vector<16xi32>,
    %broadcast_in_dim3A_33 = arith.constant 0 : i32
    %broadcast_in_dim3A_34 = vector.broadcast %broadcast_in_dim3A_33 : i32 to vector<16xi32>
    %swap3A_35 = arith.constant 128 : index
    %swap3A_36 = tpu.vector_load %arg6[%swap3A_35] {strides = array<i32>} : memref<256xi32, #tpu.memory_space<vmem>>, vector<16xi32>,
    tpu.vector_store %arg6[%swap3A_35], %broadcast_in_dim3A_34 {strides = array<i32>} : memref<256xi32, #tpu.memory_space<vmem>>, vector<16xi32>,
    %broadcast_in_dim3A_37 = arith.constant 0 : i32
    %broadcast_in_dim3A_38 = vector.broadcast %broadcast_in_dim3A_37 : i32 to vector<16xi32>
    %swap3A_39 = arith.constant 144 : index
    %swap3A_40 = tpu.vector_load %arg6[%swap3A_39] {strides = array<i32>} : memref<256xi32, #tpu.memory_space<vmem>>, vector<16xi32>,
    tpu.vector_store %arg6[%swap3A_39], %broadcast_in_dim3A_38 {strides = array<i32>} : memref<256xi32, #tpu.memory_space<vmem>>, vector<16xi32>,
    %broadcast_in_dim3A_41 = arith.constant 0 : i32
    %broadcast_in_dim3A_42 = vector.broadcast %broadcast_in_dim3A_41 : i32 to vector<16xi32>
    %swap3A_43 = arith.constant 160 : index
    %swap3A_44 = tpu.vector_load %arg6[%swap3A_43] {strides = array<i32>} : memref<256xi32, #tpu.memory_space<vmem>>, vector<16xi32>,
    tpu.vector_store %arg6[%swap3A_43], %broadcast_in_dim3A_42 {strides = array<i32>} : memref<256xi32, #tpu.memory_space<vmem>>, vector<16xi32>,
    %broadcast_in_dim3A_45 = arith.constant 0 : i32
    %broadcast_in_dim3A_46 = vector.broadcast %broadcast_in_dim3A_45 : i32 to vector<16xi32>
    %swap3A_47 = arith.constant 176 : index
    %swap3A_48 = tpu.vector_load %arg6[%swap3A_47] {strides = array<i32>} : memref<256xi32, #tpu.memory_space<vmem>>, vector<16xi32>,
    tpu.vector_store %arg6[%swap3A_47], %broadcast_in_dim3A_46 {strides = array<i32>} : memref<256xi32, #tpu.memory_space<vmem>>, vector<16xi32>,
    %broadcast_in_dim3A_49 = arith.constant 0 : i32
    %broadcast_in_dim3A_50 = vector.broadcast %broadcast_in_dim3A_49 : i32 to vector<16xi32>
    %swap3A_51 = arith.constant 192 : index
    %swap3A_52 = tpu.vector_load %arg6[%swap3A_51] {strides = array<i32>} : memref<256xi32, #tpu.memory_space<vmem>>, vector<16xi32>,
    tpu.vector_store %arg6[%swap3A_51], %broadcast_in_dim3A_50 {strides = array<i32>} : memref<256xi32, #tpu.memory_space<vmem>>, vector<16xi32>,
    %broadcast_in_dim3A_53 = arith.constant 0 : i32
    %broadcast_in_dim3A_54 = vector.broadcast %broadcast_in_dim3A_53 : i32 to vector<16xi32>
    %swap3A_55 = arith.constant 208 : index
    %swap3A_56 = tpu.vector_load %arg6[%swap3A_55] {strides = array<i32>} : memref<256xi32, #tpu.memory_space<vmem>>, vector<16xi32>,
    tpu.vector_store %arg6[%swap3A_55], %broadcast_in_dim3A_54 {strides = array<i32>} : memref<256xi32, #tpu.memory_space<vmem>>, vector<16xi32>,
    %broadcast_in_dim3A_57 = arith.constant 0 : i32
    %broadcast_in_dim3A_58 = vector.broadcast %broadcast_in_dim3A_57 : i32 to vector<16xi32>
    %swap3A_59 = arith.constant 224 : index
    %swap3A_60 = tpu.vector_load %arg6[%swap3A_59] {strides = array<i32>} : memref<256xi32, #tpu.memory_space<vmem>>, vector<16xi32>,
    tpu.vector_store %arg6[%swap3A_59], %broadcast_in_dim3A_58 {strides = array<i32>} : memref<256xi32, #tpu.memory_space<vmem>>, vector<16xi32>,
    %broadcast_in_dim3A_61 = arith.constant 0 : i32
    %broadcast_in_dim3A_62 = vector.broadcast %broadcast_in_dim3A_61 : i32 to vector<16xi32>
    %swap3A_63 = arith.constant 240 : index
    %swap3A_64 = tpu.vector_load %arg6[%swap3A_63] {strides = array<i32>} : memref<256xi32, #tpu.memory_space<vmem>>, vector<16xi32>,
    tpu.vector_store %arg6[%swap3A_63], %broadcast_in_dim3A_62 {strides = array<i32>} : memref<256xi32, #tpu.memory_space<vmem>>, vector<16xi32>,
    %get3A = arith.constant 0 : index
    %get3A_65 = tpu.vector_load %arg7[%get3A] {strides = array<i32>} : memref<16xi32, #tpu.memory_space<vmem>>, vector<16xi32>,
    %broadcast_in_dim3A_66 = arith.constant 1 : i32
    %broadcast_in_dim3A_67 = vector.broadcast %broadcast_in_dim3A_66 : i32 to vector<16xi32>
    %scan3A = arith.constant 0 : i32
    %scan3A_68 = arith.constant 0 : i32
    %scan3A_69 = arith.constant 4096 : i32
    %scan3A_70 = arith.addi %scan3A_68, %scan3A_69 : i32
    %scan3A_71 = arith.constant 1 : i32
    scf.for %scan3A_75 = %scan3A_68 to %scan3A_70 step %scan3A_71  : i32 {
      %mul3A_76 = arith.constant 16 : i32
      %mul3A_77 = arith.muli %scan3A_75, %mul3A_76 : i32
      %get3A_78 = arith.index_cast %mul3A_77 : i32 to index
      %get3A_79 = tpu.vector_load %arg5[%get3A_78] {strides = array<i32>} : memref<65536xi32, #tpu.memory_space<vmem>>, vector<16xi32>,
      %shift_right_logical3A = arith.constant 8 : i32
      %shift_right_logical3A_80 = vector.broadcast %shift_right_logical3A : i32 to vector<16xi32>
      %shift_right_logical3A_81 = arith.shrui %get3A_79, %shift_right_logical3A_80 : vector<16xi32>
      %and3A = arith.constant 255 : i32
      %and3A_82 = vector.broadcast %and3A : i32 to vector<16xi32>
      %and3A_83 = arith.andi %shift_right_logical3A_81, %and3A_82 : vector<16xi32>
      %shift_right_logical3A_84 = arith.constant 16 : i32
      %shift_right_logical3A_85 = vector.broadcast %shift_right_logical3A_84 : i32 to vector<16xi32>
      %shift_right_logical3A_86 = arith.shrui %get3A_79, %shift_right_logical3A_85 : vector<16xi32>
      %eq3A = arith.cmpi eq, %shift_right_logical3A_86, %get3A_65 : vector<16xi32>
      tpu.vector_store_idx %arg6[%and3A_83], %broadcast_in_dim3A_67 masked %eq3A {add = true} : memref<256xi32, #tpu.memory_space<vmem>>[vector<16xi32>], vector<16xi32>, vector<16xi1>
    }
    %scan3A_72 = arith.constant 4096 : i32
    %mul3A_73 = arith.constant 256 : i32
    %mul3A_74 = arith.muli %add3A, %mul3A_73 : i32
    "tpu.region"() ({
      %run_scoped3A = tpu.sem_alloc : memref<!tpu.dma_semaphore, #tpu.memory_space<semaphore_mem>>
      %dma_start3A = tpu.memref_slice %arg4[%mul3A_74] : memref<8192xi32, #tpu.memory_space<hbm>> -> memref<256xi32, #tpu.memory_space<hbm>>
      %dma_start3A_75 = tpu.memref_slice %arg4[%mul3A_74] : memref<8192xi32, #tpu.memory_space<hbm>> -> memref<256xi32, #tpu.memory_space<hbm>>
      tpu.enqueue_dma source(%arg6 : memref<256xi32, #tpu.memory_space<vmem>>) target(%dma_start3A_75 : memref<256xi32, #tpu.memory_space<hbm>>) target_semaphore(%run_scoped3A : memref<!tpu.dma_semaphore, #tpu.memory_space<semaphore_mem>>)
      %dma_wait3A = tpu.memref_slice %arg4[%mul3A_74] : memref<8192xi32, #tpu.memory_space<hbm>> -> memref<256xi32, #tpu.memory_space<hbm>>
      %dma_wait3A_76 = tpu.memref_slice %arg4[%mul3A_74] : memref<8192xi32, #tpu.memory_space<hbm>> -> memref<256xi32, #tpu.memory_space<hbm>>
      tpu.wait_dma2 semaphore(%run_scoped3A : memref<!tpu.dma_semaphore, #tpu.memory_space<semaphore_mem>>) src(%arg6 : memref<256xi32, #tpu.memory_space<vmem>>) dst(%dma_wait3A_76 : memref<256xi32, #tpu.memory_space<hbm>>)
      tpu.yield
    }) : () -> ()
    return
  }
}

module attributes {stable_mosaic.version = 14 : i64} {
  func.func @_p_body(%arg0: i32, %arg1: memref<1x19x256x512xf32, #tpu.memory_space<vmem>>, %arg2: memref<1x256x512xi32, #tpu.memory_space<vmem>>, %arg3: memref<1x256x512xf32, #tpu.memory_space<vmem>>) attributes {dimension_semantics = [#tpu.dimension_semantics<arbitrary>], iteration_bounds = array<i64: 16>, scalar_prefetch = 0 : i64, scratch_operands = 0 : i64, tpu.core_type = #tpu.core_type<tc>, window_params = [{transform_indices = @transform_0, window_bounds = array<i64: 1, 19, 256, 512>}, {transform_indices = @transform_1, window_bounds = array<i64: 1, 256, 512>}, {transform_indices = @transform_2, window_bounds = array<i64: 1, 256, 512>}]} {
    %get3A = arith.constant 0 : index
    %get3A_0 = arith.constant 0 : index
    %get3A_1 = arith.constant 0 : index
    %get3A_2 = vector.load %arg2[%get3A, %get3A_0, %get3A_1] : memref<1x256x512xi32, #tpu.memory_space<vmem>>, vector<1x256x512xi32>
    %get3A_3 = vector.shape_cast %get3A_2 : vector<1x256x512xi32> to vector<256x512xi32>
    %get3A_4 = arith.constant 0 : index
    %get3A_5 = arith.constant 0 : index
    %get3A_6 = arith.constant 0 : index
    %get3A_7 = arith.constant 0 : index
    %get3A_8 = vector.load %arg1[%get3A_4, %get3A_5, %get3A_6, %get3A_7] : memref<1x19x256x512xf32, #tpu.memory_space<vmem>>, vector<1x1x256x512xf32>
    %get3A_9 = vector.shape_cast %get3A_8 : vector<1x1x256x512xf32> to vector<256x512xf32>
    %get3A_10 = arith.constant 0 : index
    %get3A_11 = arith.constant 0 : index
    %get3A_12 = arith.constant 0 : index
    %get3A_13 = arith.constant 0 : index
    %get3A_14 = vector.load %arg1[%get3A_10, %get3A_11, %get3A_12, %get3A_13] : memref<1x19x256x512xf32, #tpu.memory_space<vmem>>, vector<1x1x256x512xf32>
    %get3A_15 = vector.shape_cast %get3A_14 : vector<1x1x256x512xf32> to vector<256x512xf32>
    %exp3A = math.exp %get3A_15 : vector<256x512xf32>
    %get3A_16 = arith.constant 0 : index
    %get3A_17 = arith.constant 1 : index
    %get3A_18 = arith.constant 0 : index
    %get3A_19 = arith.constant 0 : index
    %get3A_20 = vector.load %arg1[%get3A_16, %get3A_17, %get3A_18, %get3A_19] : memref<1x19x256x512xf32, #tpu.memory_space<vmem>>, vector<1x1x256x512xf32>
    %get3A_21 = vector.shape_cast %get3A_20 : vector<1x1x256x512xf32> to vector<256x512xf32>
    %exp3A_22 = math.exp %get3A_21 : vector<256x512xf32>
    %add3A = arith.addf %exp3A, %exp3A_22 : vector<256x512xf32>
    %eq3A = arith.constant 1 : i32
    %eq3A_23 = vector.broadcast %eq3A : i32 to vector<256x512xi32>
    %eq3A_24 = arith.cmpi eq, %get3A_3, %eq3A_23 : vector<256x512xi32>
    %select_n3A = arith.select %eq3A_24, %get3A_21, %get3A_9 : vector<256x512xi1>, vector<256x512xf32>
    %get3A_25 = arith.constant 0 : index
    %get3A_26 = arith.constant 2 : index
    %get3A_27 = arith.constant 0 : index
    %get3A_28 = arith.constant 0 : index
    %get3A_29 = vector.load %arg1[%get3A_25, %get3A_26, %get3A_27, %get3A_28] : memref<1x19x256x512xf32, #tpu.memory_space<vmem>>, vector<1x1x256x512xf32>
    %get3A_30 = vector.shape_cast %get3A_29 : vector<1x1x256x512xf32> to vector<256x512xf32>
    %exp3A_31 = math.exp %get3A_30 : vector<256x512xf32>
    %add3A_32 = arith.addf %add3A, %exp3A_31 : vector<256x512xf32>
    %eq3A_33 = arith.constant 2 : i32
    %eq3A_34 = vector.broadcast %eq3A_33 : i32 to vector<256x512xi32>
    %eq3A_35 = arith.cmpi eq, %get3A_3, %eq3A_34 : vector<256x512xi32>
    %select_n3A_36 = arith.select %eq3A_35, %get3A_30, %select_n3A : vector<256x512xi1>, vector<256x512xf32>
    %get3A_37 = arith.constant 0 : index
    %get3A_38 = arith.constant 3 : index
    %get3A_39 = arith.constant 0 : index
    %get3A_40 = arith.constant 0 : index
    %get3A_41 = vector.load %arg1[%get3A_37, %get3A_38, %get3A_39, %get3A_40] : memref<1x19x256x512xf32, #tpu.memory_space<vmem>>, vector<1x1x256x512xf32>
    %get3A_42 = vector.shape_cast %get3A_41 : vector<1x1x256x512xf32> to vector<256x512xf32>
    %exp3A_43 = math.exp %get3A_42 : vector<256x512xf32>
    %add3A_44 = arith.addf %add3A_32, %exp3A_43 : vector<256x512xf32>
    %eq3A_45 = arith.constant 3 : i32
    %eq3A_46 = vector.broadcast %eq3A_45 : i32 to vector<256x512xi32>
    %eq3A_47 = arith.cmpi eq, %get3A_3, %eq3A_46 : vector<256x512xi32>
    %select_n3A_48 = arith.select %eq3A_47, %get3A_42, %select_n3A_36 : vector<256x512xi1>, vector<256x512xf32>
    %get3A_49 = arith.constant 0 : index
    %get3A_50 = arith.constant 4 : index
    %get3A_51 = arith.constant 0 : index
    %get3A_52 = arith.constant 0 : index
    %get3A_53 = vector.load %arg1[%get3A_49, %get3A_50, %get3A_51, %get3A_52] : memref<1x19x256x512xf32, #tpu.memory_space<vmem>>, vector<1x1x256x512xf32>
    %get3A_54 = vector.shape_cast %get3A_53 : vector<1x1x256x512xf32> to vector<256x512xf32>
    %exp3A_55 = math.exp %get3A_54 : vector<256x512xf32>
    %add3A_56 = arith.addf %add3A_44, %exp3A_55 : vector<256x512xf32>
    %eq3A_57 = arith.constant 4 : i32
    %eq3A_58 = vector.broadcast %eq3A_57 : i32 to vector<256x512xi32>
    %eq3A_59 = arith.cmpi eq, %get3A_3, %eq3A_58 : vector<256x512xi32>
    %select_n3A_60 = arith.select %eq3A_59, %get3A_54, %select_n3A_48 : vector<256x512xi1>, vector<256x512xf32>
    %get3A_61 = arith.constant 0 : index
    %get3A_62 = arith.constant 5 : index
    %get3A_63 = arith.constant 0 : index
    %get3A_64 = arith.constant 0 : index
    %get3A_65 = vector.load %arg1[%get3A_61, %get3A_62, %get3A_63, %get3A_64] : memref<1x19x256x512xf32, #tpu.memory_space<vmem>>, vector<1x1x256x512xf32>
    %get3A_66 = vector.shape_cast %get3A_65 : vector<1x1x256x512xf32> to vector<256x512xf32>
    %exp3A_67 = math.exp %get3A_66 : vector<256x512xf32>
    %add3A_68 = arith.addf %add3A_56, %exp3A_67 : vector<256x512xf32>
    %eq3A_69 = arith.constant 5 : i32
    %eq3A_70 = vector.broadcast %eq3A_69 : i32 to vector<256x512xi32>
    %eq3A_71 = arith.cmpi eq, %get3A_3, %eq3A_70 : vector<256x512xi32>
    %select_n3A_72 = arith.select %eq3A_71, %get3A_66, %select_n3A_60 : vector<256x512xi1>, vector<256x512xf32>
    %get3A_73 = arith.constant 0 : index
    %get3A_74 = arith.constant 6 : index
    %get3A_75 = arith.constant 0 : index
    %get3A_76 = arith.constant 0 : index
    %get3A_77 = vector.load %arg1[%get3A_73, %get3A_74, %get3A_75, %get3A_76] : memref<1x19x256x512xf32, #tpu.memory_space<vmem>>, vector<1x1x256x512xf32>
    %get3A_78 = vector.shape_cast %get3A_77 : vector<1x1x256x512xf32> to vector<256x512xf32>
    %exp3A_79 = math.exp %get3A_78 : vector<256x512xf32>
    %add3A_80 = arith.addf %add3A_68, %exp3A_79 : vector<256x512xf32>
    %eq3A_81 = arith.constant 6 : i32
    %eq3A_82 = vector.broadcast %eq3A_81 : i32 to vector<256x512xi32>
    %eq3A_83 = arith.cmpi eq, %get3A_3, %eq3A_82 : vector<256x512xi32>
    %select_n3A_84 = arith.select %eq3A_83, %get3A_78, %select_n3A_72 : vector<256x512xi1>, vector<256x512xf32>
    %get3A_85 = arith.constant 0 : index
    %get3A_86 = arith.constant 7 : index
    %get3A_87 = arith.constant 0 : index
    %get3A_88 = arith.constant 0 : index
    %get3A_89 = vector.load %arg1[%get3A_85, %get3A_86, %get3A_87, %get3A_88] : memref<1x19x256x512xf32, #tpu.memory_space<vmem>>, vector<1x1x256x512xf32>
    %get3A_90 = vector.shape_cast %get3A_89 : vector<1x1x256x512xf32> to vector<256x512xf32>
    %exp3A_91 = math.exp %get3A_90 : vector<256x512xf32>
    %add3A_92 = arith.addf %add3A_80, %exp3A_91 : vector<256x512xf32>
    %eq3A_93 = arith.constant 7 : i32
    %eq3A_94 = vector.broadcast %eq3A_93 : i32 to vector<256x512xi32>
    %eq3A_95 = arith.cmpi eq, %get3A_3, %eq3A_94 : vector<256x512xi32>
    %select_n3A_96 = arith.select %eq3A_95, %get3A_90, %select_n3A_84 : vector<256x512xi1>, vector<256x512xf32>
    %get3A_97 = arith.constant 0 : index
    %get3A_98 = arith.constant 8 : index
    %get3A_99 = arith.constant 0 : index
    %get3A_100 = arith.constant 0 : index
    %get3A_101 = vector.load %arg1[%get3A_97, %get3A_98, %get3A_99, %get3A_100] : memref<1x19x256x512xf32, #tpu.memory_space<vmem>>, vector<1x1x256x512xf32>
    %get3A_102 = vector.shape_cast %get3A_101 : vector<1x1x256x512xf32> to vector<256x512xf32>
    %exp3A_103 = math.exp %get3A_102 : vector<256x512xf32>
    %add3A_104 = arith.addf %add3A_92, %exp3A_103 : vector<256x512xf32>
    %eq3A_105 = arith.constant 8 : i32
    %eq3A_106 = vector.broadcast %eq3A_105 : i32 to vector<256x512xi32>
    %eq3A_107 = arith.cmpi eq, %get3A_3, %eq3A_106 : vector<256x512xi32>
    %select_n3A_108 = arith.select %eq3A_107, %get3A_102, %select_n3A_96 : vector<256x512xi1>, vector<256x512xf32>
    %get3A_109 = arith.constant 0 : index
    %get3A_110 = arith.constant 9 : index
    %get3A_111 = arith.constant 0 : index
    %get3A_112 = arith.constant 0 : index
    %get3A_113 = vector.load %arg1[%get3A_109, %get3A_110, %get3A_111, %get3A_112] : memref<1x19x256x512xf32, #tpu.memory_space<vmem>>, vector<1x1x256x512xf32>
    %get3A_114 = vector.shape_cast %get3A_113 : vector<1x1x256x512xf32> to vector<256x512xf32>
    %exp3A_115 = math.exp %get3A_114 : vector<256x512xf32>
    %add3A_116 = arith.addf %add3A_104, %exp3A_115 : vector<256x512xf32>
    %eq3A_117 = arith.constant 9 : i32
    %eq3A_118 = vector.broadcast %eq3A_117 : i32 to vector<256x512xi32>
    %eq3A_119 = arith.cmpi eq, %get3A_3, %eq3A_118 : vector<256x512xi32>
    %select_n3A_120 = arith.select %eq3A_119, %get3A_114, %select_n3A_108 : vector<256x512xi1>, vector<256x512xf32>
    %get3A_121 = arith.constant 0 : index
    %get3A_122 = arith.constant 10 : index
    %get3A_123 = arith.constant 0 : index
    %get3A_124 = arith.constant 0 : index
    %get3A_125 = vector.load %arg1[%get3A_121, %get3A_122, %get3A_123, %get3A_124] : memref<1x19x256x512xf32, #tpu.memory_space<vmem>>, vector<1x1x256x512xf32>
    %get3A_126 = vector.shape_cast %get3A_125 : vector<1x1x256x512xf32> to vector<256x512xf32>
    %exp3A_127 = math.exp %get3A_126 : vector<256x512xf32>
    %add3A_128 = arith.addf %add3A_116, %exp3A_127 : vector<256x512xf32>
    %eq3A_129 = arith.constant 10 : i32
    %eq3A_130 = vector.broadcast %eq3A_129 : i32 to vector<256x512xi32>
    %eq3A_131 = arith.cmpi eq, %get3A_3, %eq3A_130 : vector<256x512xi32>
    %select_n3A_132 = arith.select %eq3A_131, %get3A_126, %select_n3A_120 : vector<256x512xi1>, vector<256x512xf32>
    %get3A_133 = arith.constant 0 : index
    %get3A_134 = arith.constant 11 : index
    %get3A_135 = arith.constant 0 : index
    %get3A_136 = arith.constant 0 : index
    %get3A_137 = vector.load %arg1[%get3A_133, %get3A_134, %get3A_135, %get3A_136] : memref<1x19x256x512xf32, #tpu.memory_space<vmem>>, vector<1x1x256x512xf32>
    %get3A_138 = vector.shape_cast %get3A_137 : vector<1x1x256x512xf32> to vector<256x512xf32>
    %exp3A_139 = math.exp %get3A_138 : vector<256x512xf32>
    %add3A_140 = arith.addf %add3A_128, %exp3A_139 : vector<256x512xf32>
    %eq3A_141 = arith.constant 11 : i32
    %eq3A_142 = vector.broadcast %eq3A_141 : i32 to vector<256x512xi32>
    %eq3A_143 = arith.cmpi eq, %get3A_3, %eq3A_142 : vector<256x512xi32>
    %select_n3A_144 = arith.select %eq3A_143, %get3A_138, %select_n3A_132 : vector<256x512xi1>, vector<256x512xf32>
    %get3A_145 = arith.constant 0 : index
    %get3A_146 = arith.constant 12 : index
    %get3A_147 = arith.constant 0 : index
    %get3A_148 = arith.constant 0 : index
    %get3A_149 = vector.load %arg1[%get3A_145, %get3A_146, %get3A_147, %get3A_148] : memref<1x19x256x512xf32, #tpu.memory_space<vmem>>, vector<1x1x256x512xf32>
    %get3A_150 = vector.shape_cast %get3A_149 : vector<1x1x256x512xf32> to vector<256x512xf32>
    %exp3A_151 = math.exp %get3A_150 : vector<256x512xf32>
    %add3A_152 = arith.addf %add3A_140, %exp3A_151 : vector<256x512xf32>
    %eq3A_153 = arith.constant 12 : i32
    %eq3A_154 = vector.broadcast %eq3A_153 : i32 to vector<256x512xi32>
    %eq3A_155 = arith.cmpi eq, %get3A_3, %eq3A_154 : vector<256x512xi32>
    %select_n3A_156 = arith.select %eq3A_155, %get3A_150, %select_n3A_144 : vector<256x512xi1>, vector<256x512xf32>
    %get3A_157 = arith.constant 0 : index
    %get3A_158 = arith.constant 13 : index
    %get3A_159 = arith.constant 0 : index
    %get3A_160 = arith.constant 0 : index
    %get3A_161 = vector.load %arg1[%get3A_157, %get3A_158, %get3A_159, %get3A_160] : memref<1x19x256x512xf32, #tpu.memory_space<vmem>>, vector<1x1x256x512xf32>
    %get3A_162 = vector.shape_cast %get3A_161 : vector<1x1x256x512xf32> to vector<256x512xf32>
    %exp3A_163 = math.exp %get3A_162 : vector<256x512xf32>
    %add3A_164 = arith.addf %add3A_152, %exp3A_163 : vector<256x512xf32>
    %eq3A_165 = arith.constant 13 : i32
    %eq3A_166 = vector.broadcast %eq3A_165 : i32 to vector<256x512xi32>
    %eq3A_167 = arith.cmpi eq, %get3A_3, %eq3A_166 : vector<256x512xi32>
    %select_n3A_168 = arith.select %eq3A_167, %get3A_162, %select_n3A_156 : vector<256x512xi1>, vector<256x512xf32>
    %get3A_169 = arith.constant 0 : index
    %get3A_170 = arith.constant 14 : index
    %get3A_171 = arith.constant 0 : index
    %get3A_172 = arith.constant 0 : index
    %get3A_173 = vector.load %arg1[%get3A_169, %get3A_170, %get3A_171, %get3A_172] : memref<1x19x256x512xf32, #tpu.memory_space<vmem>>, vector<1x1x256x512xf32>
    %get3A_174 = vector.shape_cast %get3A_173 : vector<1x1x256x512xf32> to vector<256x512xf32>
    %exp3A_175 = math.exp %get3A_174 : vector<256x512xf32>
    %add3A_176 = arith.addf %add3A_164, %exp3A_175 : vector<256x512xf32>
    %eq3A_177 = arith.constant 14 : i32
    %eq3A_178 = vector.broadcast %eq3A_177 : i32 to vector<256x512xi32>
    %eq3A_179 = arith.cmpi eq, %get3A_3, %eq3A_178 : vector<256x512xi32>
    %select_n3A_180 = arith.select %eq3A_179, %get3A_174, %select_n3A_168 : vector<256x512xi1>, vector<256x512xf32>
    %get3A_181 = arith.constant 0 : index
    %get3A_182 = arith.constant 15 : index
    %get3A_183 = arith.constant 0 : index
    %get3A_184 = arith.constant 0 : index
    %get3A_185 = vector.load %arg1[%get3A_181, %get3A_182, %get3A_183, %get3A_184] : memref<1x19x256x512xf32, #tpu.memory_space<vmem>>, vector<1x1x256x512xf32>
    %get3A_186 = vector.shape_cast %get3A_185 : vector<1x1x256x512xf32> to vector<256x512xf32>
    %exp3A_187 = math.exp %get3A_186 : vector<256x512xf32>
    %add3A_188 = arith.addf %add3A_176, %exp3A_187 : vector<256x512xf32>
    %eq3A_189 = arith.constant 15 : i32
    %eq3A_190 = vector.broadcast %eq3A_189 : i32 to vector<256x512xi32>
    %eq3A_191 = arith.cmpi eq, %get3A_3, %eq3A_190 : vector<256x512xi32>
    %select_n3A_192 = arith.select %eq3A_191, %get3A_186, %select_n3A_180 : vector<256x512xi1>, vector<256x512xf32>
    %get3A_193 = arith.constant 0 : index
    %get3A_194 = arith.constant 16 : index
    %get3A_195 = arith.constant 0 : index
    %get3A_196 = arith.constant 0 : index
    %get3A_197 = vector.load %arg1[%get3A_193, %get3A_194, %get3A_195, %get3A_196] : memref<1x19x256x512xf32, #tpu.memory_space<vmem>>, vector<1x1x256x512xf32>
    %get3A_198 = vector.shape_cast %get3A_197 : vector<1x1x256x512xf32> to vector<256x512xf32>
    %exp3A_199 = math.exp %get3A_198 : vector<256x512xf32>
    %add3A_200 = arith.addf %add3A_188, %exp3A_199 : vector<256x512xf32>
    %eq3A_201 = arith.constant 16 : i32
    %eq3A_202 = vector.broadcast %eq3A_201 : i32 to vector<256x512xi32>
    %eq3A_203 = arith.cmpi eq, %get3A_3, %eq3A_202 : vector<256x512xi32>
    %select_n3A_204 = arith.select %eq3A_203, %get3A_198, %select_n3A_192 : vector<256x512xi1>, vector<256x512xf32>
    %get3A_205 = arith.constant 0 : index
    %get3A_206 = arith.constant 17 : index
    %get3A_207 = arith.constant 0 : index
    %get3A_208 = arith.constant 0 : index
    %get3A_209 = vector.load %arg1[%get3A_205, %get3A_206, %get3A_207, %get3A_208] : memref<1x19x256x512xf32, #tpu.memory_space<vmem>>, vector<1x1x256x512xf32>
    %get3A_210 = vector.shape_cast %get3A_209 : vector<1x1x256x512xf32> to vector<256x512xf32>
    %exp3A_211 = math.exp %get3A_210 : vector<256x512xf32>
    %add3A_212 = arith.addf %add3A_200, %exp3A_211 : vector<256x512xf32>
    %eq3A_213 = arith.constant 17 : i32
    %eq3A_214 = vector.broadcast %eq3A_213 : i32 to vector<256x512xi32>
    %eq3A_215 = arith.cmpi eq, %get3A_3, %eq3A_214 : vector<256x512xi32>
    %select_n3A_216 = arith.select %eq3A_215, %get3A_210, %select_n3A_204 : vector<256x512xi1>, vector<256x512xf32>
    %get3A_217 = arith.constant 0 : index
    %get3A_218 = arith.constant 18 : index
    %get3A_219 = arith.constant 0 : index
    %get3A_220 = arith.constant 0 : index
    %get3A_221 = vector.load %arg1[%get3A_217, %get3A_218, %get3A_219, %get3A_220] : memref<1x19x256x512xf32, #tpu.memory_space<vmem>>, vector<1x1x256x512xf32>
    %get3A_222 = vector.shape_cast %get3A_221 : vector<1x1x256x512xf32> to vector<256x512xf32>
    %exp3A_223 = math.exp %get3A_222 : vector<256x512xf32>
    %add3A_224 = arith.addf %add3A_212, %exp3A_223 : vector<256x512xf32>
    %eq3A_225 = arith.constant 18 : i32
    %eq3A_226 = vector.broadcast %eq3A_225 : i32 to vector<256x512xi32>
    %eq3A_227 = arith.cmpi eq, %get3A_3, %eq3A_226 : vector<256x512xi32>
    %select_n3A_228 = arith.select %eq3A_227, %get3A_222, %select_n3A_216 : vector<256x512xi1>, vector<256x512xf32>
    %log3A = math.log %add3A_224 : vector<256x512xf32>
    %sub3A = arith.subf %select_n3A_228, %log3A : vector<256x512xf32>
    %exp3A_229 = math.exp %sub3A : vector<256x512xf32>
    %swap3A = arith.constant 0 : index
    %swap3A_230 = arith.constant 0 : index
    %swap3A_231 = arith.constant 0 : index
    %swap3A_232 = vector.load %arg3[%swap3A, %swap3A_230, %swap3A_231] : memref<1x256x512xf32, #tpu.memory_space<vmem>>, vector<1x256x512xf32>
    %swap3A_233 = vector.shape_cast %swap3A_232 : vector<1x256x512xf32> to vector<256x512xf32>
    %swap3A_234 = vector.shape_cast %exp3A_229 : vector<256x512xf32> to vector<1x256x512xf32>
    tpu.vector_store %arg3[%swap3A, %swap3A_230, %swap3A_231], %swap3A_234 {strides = array<i32>} : memref<1x256x512xf32, #tpu.memory_space<vmem>>, vector<1x256x512xf32>,
    return
  }
  func.func @transform_0(%arg0: i32) -> (i32, i32, i32, i32) {
    %jit3A = arith.constant 2 : i32
    %div3A = arith.divsi %arg0, %jit3A : i32
    %sign3A = arith.constant 0 : i32
    %sign3A_0 = arith.cmpi sgt, %arg0, %sign3A : i32
    %sign3A_1 = arith.extui %sign3A_0 : i1 to i32
    %sign3A_2 = arith.constant 0 : i32
    %sign3A_3 = arith.cmpi slt, %arg0, %sign3A_2 : i32
    %sign3A_4 = arith.extui %sign3A_3 : i1 to i32
    %sign3A_5 = arith.subi %sign3A_1, %sign3A_4 : i32
    %sign3A_6 = arith.constant 0 : i32
    %sign3A_7 = arith.cmpi sgt, %jit3A, %sign3A_6 : i32
    %sign3A_8 = arith.extui %sign3A_7 : i1 to i32
    %sign3A_9 = arith.constant 0 : i32
    %sign3A_10 = arith.cmpi slt, %jit3A, %sign3A_9 : i32
    %sign3A_11 = arith.extui %sign3A_10 : i1 to i32
    %sign3A_12 = arith.subi %sign3A_8, %sign3A_11 : i32
    %ne3A = arith.cmpi ne, %sign3A_5, %sign3A_12 : i32
    %rem3A = arith.remsi %arg0, %jit3A : i32
    %ne3A_13 = arith.constant 0 : i32
    %ne3A_14 = arith.cmpi ne, %rem3A, %ne3A_13 : i32
    %and3A = arith.andi %ne3A, %ne3A_14 : i1
    %sub3A = arith.constant 1 : i32
    %sub3A_15 = arith.subi %div3A, %sub3A : i32
    %select_n3A = arith.select %and3A, %sub3A_15, %div3A : i32
    %jit3A_16 = arith.constant 2 : i32
    %eq3A = arith.constant 0 : i32
    %eq3A_17 = arith.cmpi eq, %jit3A_16, %eq3A : i32
    %jit3A_18 = arith.constant 1 : i32
    %select_n3A_19 = arith.select %eq3A_17, %jit3A_18, %jit3A_16 : i32
    %rem3A_20 = arith.remsi %arg0, %select_n3A_19 : i32
    %ne3A_21 = arith.constant 0 : i32
    %ne3A_22 = arith.cmpi ne, %rem3A_20, %ne3A_21 : i32
    %lt3A = arith.constant 0 : i32
    %lt3A_23 = arith.cmpi slt, %rem3A_20, %lt3A : i32
    %lt3A_24 = arith.constant 0 : i32
    %lt3A_25 = arith.cmpi slt, %select_n3A_19, %lt3A_24 : i32
    %ne3A_26 = arith.xori %lt3A_23, %lt3A_25 : i1
    %and3A_27 = arith.andi %ne3A_26, %ne3A_22 : i1
    %add3A = arith.addi %rem3A_20, %select_n3A_19 : i32
    %select_n3A_28 = arith.select %and3A_27, %add3A, %rem3A_20 : i32
    %c0_i32 = arith.constant 0 : i32
    %c0_i32_29 = arith.constant 0 : i32
    %c0_i32_30 = arith.constant 0 : i32
    return %select_n3A, %c0_i32, %select_n3A_28, %c0_i32_29 : i32, i32, i32, i32
  }
  func.func @transform_1(%arg0: i32) -> (i32, i32, i32) {
    %jit3A = arith.constant 2 : i32
    %div3A = arith.divsi %arg0, %jit3A : i32
    %sign3A = arith.constant 0 : i32
    %sign3A_0 = arith.cmpi sgt, %arg0, %sign3A : i32
    %sign3A_1 = arith.extui %sign3A_0 : i1 to i32
    %sign3A_2 = arith.constant 0 : i32
    %sign3A_3 = arith.cmpi slt, %arg0, %sign3A_2 : i32
    %sign3A_4 = arith.extui %sign3A_3 : i1 to i32
    %sign3A_5 = arith.subi %sign3A_1, %sign3A_4 : i32
    %sign3A_6 = arith.constant 0 : i32
    %sign3A_7 = arith.cmpi sgt, %jit3A, %sign3A_6 : i32
    %sign3A_8 = arith.extui %sign3A_7 : i1 to i32
    %sign3A_9 = arith.constant 0 : i32
    %sign3A_10 = arith.cmpi slt, %jit3A, %sign3A_9 : i32
    %sign3A_11 = arith.extui %sign3A_10 : i1 to i32
    %sign3A_12 = arith.subi %sign3A_8, %sign3A_11 : i32
    %ne3A = arith.cmpi ne, %sign3A_5, %sign3A_12 : i32
    %rem3A = arith.remsi %arg0, %jit3A : i32
    %ne3A_13 = arith.constant 0 : i32
    %ne3A_14 = arith.cmpi ne, %rem3A, %ne3A_13 : i32
    %and3A = arith.andi %ne3A, %ne3A_14 : i1
    %sub3A = arith.constant 1 : i32
    %sub3A_15 = arith.subi %div3A, %sub3A : i32
    %select_n3A = arith.select %and3A, %sub3A_15, %div3A : i32
    %jit3A_16 = arith.constant 2 : i32
    %eq3A = arith.constant 0 : i32
    %eq3A_17 = arith.cmpi eq, %jit3A_16, %eq3A : i32
    %jit3A_18 = arith.constant 1 : i32
    %select_n3A_19 = arith.select %eq3A_17, %jit3A_18, %jit3A_16 : i32
    %rem3A_20 = arith.remsi %arg0, %select_n3A_19 : i32
    %ne3A_21 = arith.constant 0 : i32
    %ne3A_22 = arith.cmpi ne, %rem3A_20, %ne3A_21 : i32
    %lt3A = arith.constant 0 : i32
    %lt3A_23 = arith.cmpi slt, %rem3A_20, %lt3A : i32
    %lt3A_24 = arith.constant 0 : i32
    %lt3A_25 = arith.cmpi slt, %select_n3A_19, %lt3A_24 : i32
    %ne3A_26 = arith.xori %lt3A_23, %lt3A_25 : i1
    %and3A_27 = arith.andi %ne3A_26, %ne3A_22 : i1
    %add3A = arith.addi %rem3A_20, %select_n3A_19 : i32
    %select_n3A_28 = arith.select %and3A_27, %add3A, %rem3A_20 : i32
    %c0_i32 = arith.constant 0 : i32
    %c0_i32_29 = arith.constant 0 : i32
    return %select_n3A, %select_n3A_28, %c0_i32 : i32, i32, i32
  }
  func.func @transform_2(%arg0: i32) -> (i32, i32, i32) {
    %jit3A = arith.constant 2 : i32
    %div3A = arith.divsi %arg0, %jit3A : i32
    %sign3A = arith.constant 0 : i32
    %sign3A_0 = arith.cmpi sgt, %arg0, %sign3A : i32
    %sign3A_1 = arith.extui %sign3A_0 : i1 to i32
    %sign3A_2 = arith.constant 0 : i32
    %sign3A_3 = arith.cmpi slt, %arg0, %sign3A_2 : i32
    %sign3A_4 = arith.extui %sign3A_3 : i1 to i32
    %sign3A_5 = arith.subi %sign3A_1, %sign3A_4 : i32
    %sign3A_6 = arith.constant 0 : i32
    %sign3A_7 = arith.cmpi sgt, %jit3A, %sign3A_6 : i32
    %sign3A_8 = arith.extui %sign3A_7 : i1 to i32
    %sign3A_9 = arith.constant 0 : i32
    %sign3A_10 = arith.cmpi slt, %jit3A, %sign3A_9 : i32
    %sign3A_11 = arith.extui %sign3A_10 : i1 to i32
    %sign3A_12 = arith.subi %sign3A_8, %sign3A_11 : i32
    %ne3A = arith.cmpi ne, %sign3A_5, %sign3A_12 : i32
    %rem3A = arith.remsi %arg0, %jit3A : i32
    %ne3A_13 = arith.constant 0 : i32
    %ne3A_14 = arith.cmpi ne, %rem3A, %ne3A_13 : i32
    %and3A = arith.andi %ne3A, %ne3A_14 : i1
    %sub3A = arith.constant 1 : i32
    %sub3A_15 = arith.subi %div3A, %sub3A : i32
    %select_n3A = arith.select %and3A, %sub3A_15, %div3A : i32
    %jit3A_16 = arith.constant 2 : i32
    %eq3A = arith.constant 0 : i32
    %eq3A_17 = arith.cmpi eq, %jit3A_16, %eq3A : i32
    %jit3A_18 = arith.constant 1 : i32
    %select_n3A_19 = arith.select %eq3A_17, %jit3A_18, %jit3A_16 : i32
    %rem3A_20 = arith.remsi %arg0, %select_n3A_19 : i32
    %ne3A_21 = arith.constant 0 : i32
    %ne3A_22 = arith.cmpi ne, %rem3A_20, %ne3A_21 : i32
    %lt3A = arith.constant 0 : i32
    %lt3A_23 = arith.cmpi slt, %rem3A_20, %lt3A : i32
    %lt3A_24 = arith.constant 0 : i32
    %lt3A_25 = arith.cmpi slt, %select_n3A_19, %lt3A_24 : i32
    %ne3A_26 = arith.xori %lt3A_23, %lt3A_25 : i1
    %and3A_27 = arith.andi %ne3A_26, %ne3A_22 : i1
    %add3A = arith.addi %rem3A_20, %select_n3A_19 : i32
    %select_n3A_28 = arith.select %and3A_27, %add3A, %rem3A_20 : i32
    %c0_i32 = arith.constant 0 : i32
    %c0_i32_29 = arith.constant 0 : i32
    return %select_n3A, %select_n3A_28, %c0_i32 : i32, i32, i32
  }
}

module attributes {stable_mosaic.version = 14 : i64} {
  func.func @_stats_body(%arg0: i32, %arg1: memref<1x19x256x512xf32, #tpu.memory_space<vmem>>, %arg2: memref<1x256x512xi32, #tpu.memory_space<vmem>>, %arg3: memref<1x1xf32, #tpu.memory_space<smem>>, %arg4: memref<1x1xf32, #tpu.memory_space<smem>>, %arg5: memref<1x1xf32, #tpu.memory_space<smem>>) attributes {dimension_semantics = [#tpu.dimension_semantics<arbitrary>], iteration_bounds = array<i64: 16>, scalar_prefetch = 0 : i64, scratch_operands = 0 : i64, tpu.core_type = #tpu.core_type<tc>, window_params = [{transform_indices = @transform_0, window_bounds = array<i64: 1, 19, 256, 512>}, {transform_indices = @transform_1, window_bounds = array<i64: 1, 256, 512>}, {transform_indices = @transform_2, window_bounds = array<i64: 1, 1>}, {transform_indices = @transform_3, window_bounds = array<i64: 1, 1>}, {transform_indices = @transform_4, window_bounds = array<i64: 1, 1>}]} {
    %get3A = arith.constant 0 : index
    %get3A_0 = arith.constant 0 : index
    %get3A_1 = arith.constant 0 : index
    %get3A_2 = vector.load %arg2[%get3A, %get3A_0, %get3A_1] : memref<1x256x512xi32, #tpu.memory_space<vmem>>, vector<1x256x512xi32>
    %get3A_3 = vector.shape_cast %get3A_2 : vector<1x256x512xi32> to vector<256x512xi32>
    %get3A_4 = arith.constant 0 : index
    %get3A_5 = arith.constant 0 : index
    %get3A_6 = arith.constant 0 : index
    %get3A_7 = arith.constant 0 : index
    %get3A_8 = vector.load %arg1[%get3A_4, %get3A_5, %get3A_6, %get3A_7] : memref<1x19x256x512xf32, #tpu.memory_space<vmem>>, vector<1x1x256x512xf32>
    %get3A_9 = vector.shape_cast %get3A_8 : vector<1x1x256x512xf32> to vector<256x512xf32>
    %get3A_10 = arith.constant 0 : index
    %get3A_11 = arith.constant 0 : index
    %get3A_12 = arith.constant 0 : index
    %get3A_13 = arith.constant 0 : index
    %get3A_14 = vector.load %arg1[%get3A_10, %get3A_11, %get3A_12, %get3A_13] : memref<1x19x256x512xf32, #tpu.memory_space<vmem>>, vector<1x1x256x512xf32>
    %get3A_15 = vector.shape_cast %get3A_14 : vector<1x1x256x512xf32> to vector<256x512xf32>
    %exp3A = math.exp %get3A_15 : vector<256x512xf32>
    %get3A_16 = arith.constant 0 : index
    %get3A_17 = arith.constant 1 : index
    %get3A_18 = arith.constant 0 : index
    %get3A_19 = arith.constant 0 : index
    %get3A_20 = vector.load %arg1[%get3A_16, %get3A_17, %get3A_18, %get3A_19] : memref<1x19x256x512xf32, #tpu.memory_space<vmem>>, vector<1x1x256x512xf32>
    %get3A_21 = vector.shape_cast %get3A_20 : vector<1x1x256x512xf32> to vector<256x512xf32>
    %exp3A_22 = math.exp %get3A_21 : vector<256x512xf32>
    %add3A = arith.addf %exp3A, %exp3A_22 : vector<256x512xf32>
    %eq3A = arith.constant 1 : i32
    %eq3A_23 = vector.broadcast %eq3A : i32 to vector<256x512xi32>
    %eq3A_24 = arith.cmpi eq, %get3A_3, %eq3A_23 : vector<256x512xi32>
    %select_n3A = arith.select %eq3A_24, %get3A_21, %get3A_9 : vector<256x512xi1>, vector<256x512xf32>
    %get3A_25 = arith.constant 0 : index
    %get3A_26 = arith.constant 2 : index
    %get3A_27 = arith.constant 0 : index
    %get3A_28 = arith.constant 0 : index
    %get3A_29 = vector.load %arg1[%get3A_25, %get3A_26, %get3A_27, %get3A_28] : memref<1x19x256x512xf32, #tpu.memory_space<vmem>>, vector<1x1x256x512xf32>
    %get3A_30 = vector.shape_cast %get3A_29 : vector<1x1x256x512xf32> to vector<256x512xf32>
    %exp3A_31 = math.exp %get3A_30 : vector<256x512xf32>
    %add3A_32 = arith.addf %add3A, %exp3A_31 : vector<256x512xf32>
    %eq3A_33 = arith.constant 2 : i32
    %eq3A_34 = vector.broadcast %eq3A_33 : i32 to vector<256x512xi32>
    %eq3A_35 = arith.cmpi eq, %get3A_3, %eq3A_34 : vector<256x512xi32>
    %select_n3A_36 = arith.select %eq3A_35, %get3A_30, %select_n3A : vector<256x512xi1>, vector<256x512xf32>
    %get3A_37 = arith.constant 0 : index
    %get3A_38 = arith.constant 3 : index
    %get3A_39 = arith.constant 0 : index
    %get3A_40 = arith.constant 0 : index
    %get3A_41 = vector.load %arg1[%get3A_37, %get3A_38, %get3A_39, %get3A_40] : memref<1x19x256x512xf32, #tpu.memory_space<vmem>>, vector<1x1x256x512xf32>
    %get3A_42 = vector.shape_cast %get3A_41 : vector<1x1x256x512xf32> to vector<256x512xf32>
    %exp3A_43 = math.exp %get3A_42 : vector<256x512xf32>
    %add3A_44 = arith.addf %add3A_32, %exp3A_43 : vector<256x512xf32>
    %eq3A_45 = arith.constant 3 : i32
    %eq3A_46 = vector.broadcast %eq3A_45 : i32 to vector<256x512xi32>
    %eq3A_47 = arith.cmpi eq, %get3A_3, %eq3A_46 : vector<256x512xi32>
    %select_n3A_48 = arith.select %eq3A_47, %get3A_42, %select_n3A_36 : vector<256x512xi1>, vector<256x512xf32>
    %get3A_49 = arith.constant 0 : index
    %get3A_50 = arith.constant 4 : index
    %get3A_51 = arith.constant 0 : index
    %get3A_52 = arith.constant 0 : index
    %get3A_53 = vector.load %arg1[%get3A_49, %get3A_50, %get3A_51, %get3A_52] : memref<1x19x256x512xf32, #tpu.memory_space<vmem>>, vector<1x1x256x512xf32>
    %get3A_54 = vector.shape_cast %get3A_53 : vector<1x1x256x512xf32> to vector<256x512xf32>
    %exp3A_55 = math.exp %get3A_54 : vector<256x512xf32>
    %add3A_56 = arith.addf %add3A_44, %exp3A_55 : vector<256x512xf32>
    %eq3A_57 = arith.constant 4 : i32
    %eq3A_58 = vector.broadcast %eq3A_57 : i32 to vector<256x512xi32>
    %eq3A_59 = arith.cmpi eq, %get3A_3, %eq3A_58 : vector<256x512xi32>
    %select_n3A_60 = arith.select %eq3A_59, %get3A_54, %select_n3A_48 : vector<256x512xi1>, vector<256x512xf32>
    %get3A_61 = arith.constant 0 : index
    %get3A_62 = arith.constant 5 : index
    %get3A_63 = arith.constant 0 : index
    %get3A_64 = arith.constant 0 : index
    %get3A_65 = vector.load %arg1[%get3A_61, %get3A_62, %get3A_63, %get3A_64] : memref<1x19x256x512xf32, #tpu.memory_space<vmem>>, vector<1x1x256x512xf32>
    %get3A_66 = vector.shape_cast %get3A_65 : vector<1x1x256x512xf32> to vector<256x512xf32>
    %exp3A_67 = math.exp %get3A_66 : vector<256x512xf32>
    %add3A_68 = arith.addf %add3A_56, %exp3A_67 : vector<256x512xf32>
    %eq3A_69 = arith.constant 5 : i32
    %eq3A_70 = vector.broadcast %eq3A_69 : i32 to vector<256x512xi32>
    %eq3A_71 = arith.cmpi eq, %get3A_3, %eq3A_70 : vector<256x512xi32>
    %select_n3A_72 = arith.select %eq3A_71, %get3A_66, %select_n3A_60 : vector<256x512xi1>, vector<256x512xf32>
    %get3A_73 = arith.constant 0 : index
    %get3A_74 = arith.constant 6 : index
    %get3A_75 = arith.constant 0 : index
    %get3A_76 = arith.constant 0 : index
    %get3A_77 = vector.load %arg1[%get3A_73, %get3A_74, %get3A_75, %get3A_76] : memref<1x19x256x512xf32, #tpu.memory_space<vmem>>, vector<1x1x256x512xf32>
    %get3A_78 = vector.shape_cast %get3A_77 : vector<1x1x256x512xf32> to vector<256x512xf32>
    %exp3A_79 = math.exp %get3A_78 : vector<256x512xf32>
    %add3A_80 = arith.addf %add3A_68, %exp3A_79 : vector<256x512xf32>
    %eq3A_81 = arith.constant 6 : i32
    %eq3A_82 = vector.broadcast %eq3A_81 : i32 to vector<256x512xi32>
    %eq3A_83 = arith.cmpi eq, %get3A_3, %eq3A_82 : vector<256x512xi32>
    %select_n3A_84 = arith.select %eq3A_83, %get3A_78, %select_n3A_72 : vector<256x512xi1>, vector<256x512xf32>
    %get3A_85 = arith.constant 0 : index
    %get3A_86 = arith.constant 7 : index
    %get3A_87 = arith.constant 0 : index
    %get3A_88 = arith.constant 0 : index
    %get3A_89 = vector.load %arg1[%get3A_85, %get3A_86, %get3A_87, %get3A_88] : memref<1x19x256x512xf32, #tpu.memory_space<vmem>>, vector<1x1x256x512xf32>
    %get3A_90 = vector.shape_cast %get3A_89 : vector<1x1x256x512xf32> to vector<256x512xf32>
    %exp3A_91 = math.exp %get3A_90 : vector<256x512xf32>
    %add3A_92 = arith.addf %add3A_80, %exp3A_91 : vector<256x512xf32>
    %eq3A_93 = arith.constant 7 : i32
    %eq3A_94 = vector.broadcast %eq3A_93 : i32 to vector<256x512xi32>
    %eq3A_95 = arith.cmpi eq, %get3A_3, %eq3A_94 : vector<256x512xi32>
    %select_n3A_96 = arith.select %eq3A_95, %get3A_90, %select_n3A_84 : vector<256x512xi1>, vector<256x512xf32>
    %get3A_97 = arith.constant 0 : index
    %get3A_98 = arith.constant 8 : index
    %get3A_99 = arith.constant 0 : index
    %get3A_100 = arith.constant 0 : index
    %get3A_101 = vector.load %arg1[%get3A_97, %get3A_98, %get3A_99, %get3A_100] : memref<1x19x256x512xf32, #tpu.memory_space<vmem>>, vector<1x1x256x512xf32>
    %get3A_102 = vector.shape_cast %get3A_101 : vector<1x1x256x512xf32> to vector<256x512xf32>
    %exp3A_103 = math.exp %get3A_102 : vector<256x512xf32>
    %add3A_104 = arith.addf %add3A_92, %exp3A_103 : vector<256x512xf32>
    %eq3A_105 = arith.constant 8 : i32
    %eq3A_106 = vector.broadcast %eq3A_105 : i32 to vector<256x512xi32>
    %eq3A_107 = arith.cmpi eq, %get3A_3, %eq3A_106 : vector<256x512xi32>
    %select_n3A_108 = arith.select %eq3A_107, %get3A_102, %select_n3A_96 : vector<256x512xi1>, vector<256x512xf32>
    %get3A_109 = arith.constant 0 : index
    %get3A_110 = arith.constant 9 : index
    %get3A_111 = arith.constant 0 : index
    %get3A_112 = arith.constant 0 : index
    %get3A_113 = vector.load %arg1[%get3A_109, %get3A_110, %get3A_111, %get3A_112] : memref<1x19x256x512xf32, #tpu.memory_space<vmem>>, vector<1x1x256x512xf32>
    %get3A_114 = vector.shape_cast %get3A_113 : vector<1x1x256x512xf32> to vector<256x512xf32>
    %exp3A_115 = math.exp %get3A_114 : vector<256x512xf32>
    %add3A_116 = arith.addf %add3A_104, %exp3A_115 : vector<256x512xf32>
    %eq3A_117 = arith.constant 9 : i32
    %eq3A_118 = vector.broadcast %eq3A_117 : i32 to vector<256x512xi32>
    %eq3A_119 = arith.cmpi eq, %get3A_3, %eq3A_118 : vector<256x512xi32>
    %select_n3A_120 = arith.select %eq3A_119, %get3A_114, %select_n3A_108 : vector<256x512xi1>, vector<256x512xf32>
    %get3A_121 = arith.constant 0 : index
    %get3A_122 = arith.constant 10 : index
    %get3A_123 = arith.constant 0 : index
    %get3A_124 = arith.constant 0 : index
    %get3A_125 = vector.load %arg1[%get3A_121, %get3A_122, %get3A_123, %get3A_124] : memref<1x19x256x512xf32, #tpu.memory_space<vmem>>, vector<1x1x256x512xf32>
    %get3A_126 = vector.shape_cast %get3A_125 : vector<1x1x256x512xf32> to vector<256x512xf32>
    %exp3A_127 = math.exp %get3A_126 : vector<256x512xf32>
    %add3A_128 = arith.addf %add3A_116, %exp3A_127 : vector<256x512xf32>
    %eq3A_129 = arith.constant 10 : i32
    %eq3A_130 = vector.broadcast %eq3A_129 : i32 to vector<256x512xi32>
    %eq3A_131 = arith.cmpi eq, %get3A_3, %eq3A_130 : vector<256x512xi32>
    %select_n3A_132 = arith.select %eq3A_131, %get3A_126, %select_n3A_120 : vector<256x512xi1>, vector<256x512xf32>
    %get3A_133 = arith.constant 0 : index
    %get3A_134 = arith.constant 11 : index
    %get3A_135 = arith.constant 0 : index
    %get3A_136 = arith.constant 0 : index
    %get3A_137 = vector.load %arg1[%get3A_133, %get3A_134, %get3A_135, %get3A_136] : memref<1x19x256x512xf32, #tpu.memory_space<vmem>>, vector<1x1x256x512xf32>
    %get3A_138 = vector.shape_cast %get3A_137 : vector<1x1x256x512xf32> to vector<256x512xf32>
    %exp3A_139 = math.exp %get3A_138 : vector<256x512xf32>
    %add3A_140 = arith.addf %add3A_128, %exp3A_139 : vector<256x512xf32>
    %eq3A_141 = arith.constant 11 : i32
    %eq3A_142 = vector.broadcast %eq3A_141 : i32 to vector<256x512xi32>
    %eq3A_143 = arith.cmpi eq, %get3A_3, %eq3A_142 : vector<256x512xi32>
    %select_n3A_144 = arith.select %eq3A_143, %get3A_138, %select_n3A_132 : vector<256x512xi1>, vector<256x512xf32>
    %get3A_145 = arith.constant 0 : index
    %get3A_146 = arith.constant 12 : index
    %get3A_147 = arith.constant 0 : index
    %get3A_148 = arith.constant 0 : index
    %get3A_149 = vector.load %arg1[%get3A_145, %get3A_146, %get3A_147, %get3A_148] : memref<1x19x256x512xf32, #tpu.memory_space<vmem>>, vector<1x1x256x512xf32>
    %get3A_150 = vector.shape_cast %get3A_149 : vector<1x1x256x512xf32> to vector<256x512xf32>
    %exp3A_151 = math.exp %get3A_150 : vector<256x512xf32>
    %add3A_152 = arith.addf %add3A_140, %exp3A_151 : vector<256x512xf32>
    %eq3A_153 = arith.constant 12 : i32
    %eq3A_154 = vector.broadcast %eq3A_153 : i32 to vector<256x512xi32>
    %eq3A_155 = arith.cmpi eq, %get3A_3, %eq3A_154 : vector<256x512xi32>
    %select_n3A_156 = arith.select %eq3A_155, %get3A_150, %select_n3A_144 : vector<256x512xi1>, vector<256x512xf32>
    %get3A_157 = arith.constant 0 : index
    %get3A_158 = arith.constant 13 : index
    %get3A_159 = arith.constant 0 : index
    %get3A_160 = arith.constant 0 : index
    %get3A_161 = vector.load %arg1[%get3A_157, %get3A_158, %get3A_159, %get3A_160] : memref<1x19x256x512xf32, #tpu.memory_space<vmem>>, vector<1x1x256x512xf32>
    %get3A_162 = vector.shape_cast %get3A_161 : vector<1x1x256x512xf32> to vector<256x512xf32>
    %exp3A_163 = math.exp %get3A_162 : vector<256x512xf32>
    %add3A_164 = arith.addf %add3A_152, %exp3A_163 : vector<256x512xf32>
    %eq3A_165 = arith.constant 13 : i32
    %eq3A_166 = vector.broadcast %eq3A_165 : i32 to vector<256x512xi32>
    %eq3A_167 = arith.cmpi eq, %get3A_3, %eq3A_166 : vector<256x512xi32>
    %select_n3A_168 = arith.select %eq3A_167, %get3A_162, %select_n3A_156 : vector<256x512xi1>, vector<256x512xf32>
    %get3A_169 = arith.constant 0 : index
    %get3A_170 = arith.constant 14 : index
    %get3A_171 = arith.constant 0 : index
    %get3A_172 = arith.constant 0 : index
    %get3A_173 = vector.load %arg1[%get3A_169, %get3A_170, %get3A_171, %get3A_172] : memref<1x19x256x512xf32, #tpu.memory_space<vmem>>, vector<1x1x256x512xf32>
    %get3A_174 = vector.shape_cast %get3A_173 : vector<1x1x256x512xf32> to vector<256x512xf32>
    %exp3A_175 = math.exp %get3A_174 : vector<256x512xf32>
    %add3A_176 = arith.addf %add3A_164, %exp3A_175 : vector<256x512xf32>
    %eq3A_177 = arith.constant 14 : i32
    %eq3A_178 = vector.broadcast %eq3A_177 : i32 to vector<256x512xi32>
    %eq3A_179 = arith.cmpi eq, %get3A_3, %eq3A_178 : vector<256x512xi32>
    %select_n3A_180 = arith.select %eq3A_179, %get3A_174, %select_n3A_168 : vector<256x512xi1>, vector<256x512xf32>
    %get3A_181 = arith.constant 0 : index
    %get3A_182 = arith.constant 15 : index
    %get3A_183 = arith.constant 0 : index
    %get3A_184 = arith.constant 0 : index
    %get3A_185 = vector.load %arg1[%get3A_181, %get3A_182, %get3A_183, %get3A_184] : memref<1x19x256x512xf32, #tpu.memory_space<vmem>>, vector<1x1x256x512xf32>
    %get3A_186 = vector.shape_cast %get3A_185 : vector<1x1x256x512xf32> to vector<256x512xf32>
    %exp3A_187 = math.exp %get3A_186 : vector<256x512xf32>
    %add3A_188 = arith.addf %add3A_176, %exp3A_187 : vector<256x512xf32>
    %eq3A_189 = arith.constant 15 : i32
    %eq3A_190 = vector.broadcast %eq3A_189 : i32 to vector<256x512xi32>
    %eq3A_191 = arith.cmpi eq, %get3A_3, %eq3A_190 : vector<256x512xi32>
    %select_n3A_192 = arith.select %eq3A_191, %get3A_186, %select_n3A_180 : vector<256x512xi1>, vector<256x512xf32>
    %get3A_193 = arith.constant 0 : index
    %get3A_194 = arith.constant 16 : index
    %get3A_195 = arith.constant 0 : index
    %get3A_196 = arith.constant 0 : index
    %get3A_197 = vector.load %arg1[%get3A_193, %get3A_194, %get3A_195, %get3A_196] : memref<1x19x256x512xf32, #tpu.memory_space<vmem>>, vector<1x1x256x512xf32>
    %get3A_198 = vector.shape_cast %get3A_197 : vector<1x1x256x512xf32> to vector<256x512xf32>
    %exp3A_199 = math.exp %get3A_198 : vector<256x512xf32>
    %add3A_200 = arith.addf %add3A_188, %exp3A_199 : vector<256x512xf32>
    %eq3A_201 = arith.constant 16 : i32
    %eq3A_202 = vector.broadcast %eq3A_201 : i32 to vector<256x512xi32>
    %eq3A_203 = arith.cmpi eq, %get3A_3, %eq3A_202 : vector<256x512xi32>
    %select_n3A_204 = arith.select %eq3A_203, %get3A_198, %select_n3A_192 : vector<256x512xi1>, vector<256x512xf32>
    %get3A_205 = arith.constant 0 : index
    %get3A_206 = arith.constant 17 : index
    %get3A_207 = arith.constant 0 : index
    %get3A_208 = arith.constant 0 : index
    %get3A_209 = vector.load %arg1[%get3A_205, %get3A_206, %get3A_207, %get3A_208] : memref<1x19x256x512xf32, #tpu.memory_space<vmem>>, vector<1x1x256x512xf32>
    %get3A_210 = vector.shape_cast %get3A_209 : vector<1x1x256x512xf32> to vector<256x512xf32>
    %exp3A_211 = math.exp %get3A_210 : vector<256x512xf32>
    %add3A_212 = arith.addf %add3A_200, %exp3A_211 : vector<256x512xf32>
    %eq3A_213 = arith.constant 17 : i32
    %eq3A_214 = vector.broadcast %eq3A_213 : i32 to vector<256x512xi32>
    %eq3A_215 = arith.cmpi eq, %get3A_3, %eq3A_214 : vector<256x512xi32>
    %select_n3A_216 = arith.select %eq3A_215, %get3A_210, %select_n3A_204 : vector<256x512xi1>, vector<256x512xf32>
    %get3A_217 = arith.constant 0 : index
    %get3A_218 = arith.constant 18 : index
    %get3A_219 = arith.constant 0 : index
    %get3A_220 = arith.constant 0 : index
    %get3A_221 = vector.load %arg1[%get3A_217, %get3A_218, %get3A_219, %get3A_220] : memref<1x19x256x512xf32, #tpu.memory_space<vmem>>, vector<1x1x256x512xf32>
    %get3A_222 = vector.shape_cast %get3A_221 : vector<1x1x256x512xf32> to vector<256x512xf32>
    %exp3A_223 = math.exp %get3A_222 : vector<256x512xf32>
    %add3A_224 = arith.addf %add3A_212, %exp3A_223 : vector<256x512xf32>
    %eq3A_225 = arith.constant 18 : i32
    %eq3A_226 = vector.broadcast %eq3A_225 : i32 to vector<256x512xi32>
    %eq3A_227 = arith.cmpi eq, %get3A_3, %eq3A_226 : vector<256x512xi32>
    %select_n3A_228 = arith.select %eq3A_227, %get3A_222, %select_n3A_216 : vector<256x512xi1>, vector<256x512xf32>
    %log3A = math.log %add3A_224 : vector<256x512xf32>
    %sub3A = arith.subf %select_n3A_228, %log3A : vector<256x512xf32>
    %get3A_229 = arith.constant 0 : index
    %get3A_230 = arith.constant 0 : index
    %get3A_231 = memref.load %arg3[%get3A_229, %get3A_230] : memref<1x1xf32, #tpu.memory_space<smem>>
    %le3A = vector.broadcast %get3A_231 : f32 to vector<256x512xf32>
    %le3A_232 = arith.cmpf ole, %sub3A, %le3A : vector<256x512xf32>
    %convert_element_type3A = arith.extui %le3A_232 : vector<256x512xi1> to vector<256x512xi32>
    %convert_element_type3A_233 = arith.sitofp %convert_element_type3A : vector<256x512xi32> to vector<256x512xf32>
    %reduce_sum3A = vector.shape_cast %convert_element_type3A_233 : vector<256x512xf32> to vector<1x256x512xf32>
    %reduce_sum3A_234 = arith.constant dense<0.000000e+00> : vector<1xf32>
    %reduce_sum3A_235 = vector.multi_reduction <add>, %reduce_sum3A, %reduce_sum3A_234 [1, 2] : vector<1x256x512xf32> to vector<1xf32>
    %reduce_sum3A_236 = vector.shape_cast %reduce_sum3A_235 : vector<1xf32> to vector<1x1x1xf32>
    %reduce_sum3A_237 = vector.extract %reduce_sum3A_236[0, 0, 0] : f32 from vector<1x1x1xf32>
    %neg3A = arith.constant 0.000000e+00 : f32
    %neg3A_238 = vector.broadcast %neg3A : f32 to vector<256x512xf32>
    %neg3A_239 = arith.subf %neg3A_238, %sub3A : vector<256x512xf32>
    %jit3A = arith.constant 0.000000e+00 : f32
    %broadcast_in_dim3A = vector.broadcast %jit3A : f32 to vector<256x512xf32>
    %select_n3A_240 = arith.select %le3A_232, %neg3A_239, %broadcast_in_dim3A : vector<256x512xi1>, vector<256x512xf32>
    %reduce_sum3A_241 = vector.shape_cast %select_n3A_240 : vector<256x512xf32> to vector<1x256x512xf32>
    %reduce_sum3A_242 = arith.constant dense<0.000000e+00> : vector<1xf32>
    %reduce_sum3A_243 = vector.multi_reduction <add>, %reduce_sum3A_241, %reduce_sum3A_242 [1, 2] : vector<1x256x512xf32> to vector<1xf32>
    %reduce_sum3A_244 = vector.shape_cast %reduce_sum3A_243 : vector<1xf32> to vector<1x1x1xf32>
    %reduce_sum3A_245 = vector.extract %reduce_sum3A_244[0, 0, 0] : f32 from vector<1x1x1xf32>
    %eq3A_246 = arith.constant 0 : i32
    %eq3A_247 = arith.cmpi eq, %arg0, %eq3A_246 : i32
    %convert_element_type3A_248 = arith.extui %eq3A_247 : i1 to i32
    %cond3A = arith.constant 0 : i32
    %cond3A_249 = arith.cmpi ne, %convert_element_type3A_248, %cond3A : i32
    scf.if %cond3A_249 {
      %swap3A_263 = arith.constant 0.000000e+00 : f32
      %swap3A_264 = arith.constant 0 : index
      %swap3A_265 = arith.constant 0 : index
      %swap3A_266 = memref.load %arg4[%swap3A_264, %swap3A_265] : memref<1x1xf32, #tpu.memory_space<smem>>
      memref.store %swap3A_263, %arg4[%swap3A_264, %swap3A_265] : memref<1x1xf32, #tpu.memory_space<smem>>
      %swap3A_267 = arith.constant 0.000000e+00 : f32
      %swap3A_268 = arith.constant 0 : index
      %swap3A_269 = arith.constant 0 : index
      %swap3A_270 = memref.load %arg5[%swap3A_268, %swap3A_269] : memref<1x1xf32, #tpu.memory_space<smem>>
      memref.store %swap3A_267, %arg5[%swap3A_268, %swap3A_269] : memref<1x1xf32, #tpu.memory_space<smem>>
    } else {
    }
    %get3A_250 = arith.constant 0 : index
    %get3A_251 = arith.constant 0 : index
    %get3A_252 = memref.load %arg4[%get3A_250, %get3A_251] : memref<1x1xf32, #tpu.memory_space<smem>>
    %add3A_253 = arith.addf %get3A_252, %reduce_sum3A_237 : f32
    %swap3A = arith.constant 0 : index
    %swap3A_254 = arith.constant 0 : index
    %swap3A_255 = memref.load %arg4[%swap3A, %swap3A_254] : memref<1x1xf32, #tpu.memory_space<smem>>
    memref.store %add3A_253, %arg4[%swap3A, %swap3A_254] : memref<1x1xf32, #tpu.memory_space<smem>>
    %get3A_256 = arith.constant 0 : index
    %get3A_257 = arith.constant 0 : index
    %get3A_258 = memref.load %arg5[%get3A_256, %get3A_257] : memref<1x1xf32, #tpu.memory_space<smem>>
    %add3A_259 = arith.addf %get3A_258, %reduce_sum3A_245 : f32
    %swap3A_260 = arith.constant 0 : index
    %swap3A_261 = arith.constant 0 : index
    %swap3A_262 = memref.load %arg5[%swap3A_260, %swap3A_261] : memref<1x1xf32, #tpu.memory_space<smem>>
    memref.store %add3A_259, %arg5[%swap3A_260, %swap3A_261] : memref<1x1xf32, #tpu.memory_space<smem>>
    return
  }
  func.func @transform_0(%arg0: i32) -> (i32, i32, i32, i32) {
    %jit3A = arith.constant 2 : i32
    %div3A = arith.divsi %arg0, %jit3A : i32
    %sign3A = arith.constant 0 : i32
    %sign3A_0 = arith.cmpi sgt, %arg0, %sign3A : i32
    %sign3A_1 = arith.extui %sign3A_0 : i1 to i32
    %sign3A_2 = arith.constant 0 : i32
    %sign3A_3 = arith.cmpi slt, %arg0, %sign3A_2 : i32
    %sign3A_4 = arith.extui %sign3A_3 : i1 to i32
    %sign3A_5 = arith.subi %sign3A_1, %sign3A_4 : i32
    %sign3A_6 = arith.constant 0 : i32
    %sign3A_7 = arith.cmpi sgt, %jit3A, %sign3A_6 : i32
    %sign3A_8 = arith.extui %sign3A_7 : i1 to i32
    %sign3A_9 = arith.constant 0 : i32
    %sign3A_10 = arith.cmpi slt, %jit3A, %sign3A_9 : i32
    %sign3A_11 = arith.extui %sign3A_10 : i1 to i32
    %sign3A_12 = arith.subi %sign3A_8, %sign3A_11 : i32
    %ne3A = arith.cmpi ne, %sign3A_5, %sign3A_12 : i32
    %rem3A = arith.remsi %arg0, %jit3A : i32
    %ne3A_13 = arith.constant 0 : i32
    %ne3A_14 = arith.cmpi ne, %rem3A, %ne3A_13 : i32
    %and3A = arith.andi %ne3A, %ne3A_14 : i1
    %sub3A = arith.constant 1 : i32
    %sub3A_15 = arith.subi %div3A, %sub3A : i32
    %select_n3A = arith.select %and3A, %sub3A_15, %div3A : i32
    %jit3A_16 = arith.constant 2 : i32
    %eq3A = arith.constant 0 : i32
    %eq3A_17 = arith.cmpi eq, %jit3A_16, %eq3A : i32
    %jit3A_18 = arith.constant 1 : i32
    %select_n3A_19 = arith.select %eq3A_17, %jit3A_18, %jit3A_16 : i32
    %rem3A_20 = arith.remsi %arg0, %select_n3A_19 : i32
    %ne3A_21 = arith.constant 0 : i32
    %ne3A_22 = arith.cmpi ne, %rem3A_20, %ne3A_21 : i32
    %lt3A = arith.constant 0 : i32
    %lt3A_23 = arith.cmpi slt, %rem3A_20, %lt3A : i32
    %lt3A_24 = arith.constant 0 : i32
    %lt3A_25 = arith.cmpi slt, %select_n3A_19, %lt3A_24 : i32
    %ne3A_26 = arith.xori %lt3A_23, %lt3A_25 : i1
    %and3A_27 = arith.andi %ne3A_26, %ne3A_22 : i1
    %add3A = arith.addi %rem3A_20, %select_n3A_19 : i32
    %select_n3A_28 = arith.select %and3A_27, %add3A, %rem3A_20 : i32
    %c0_i32 = arith.constant 0 : i32
    %c0_i32_29 = arith.constant 0 : i32
    %c0_i32_30 = arith.constant 0 : i32
    return %select_n3A, %c0_i32, %select_n3A_28, %c0_i32_29 : i32, i32, i32, i32
  }
  func.func @transform_1(%arg0: i32) -> (i32, i32, i32) {
    %jit3A = arith.constant 2 : i32
    %div3A = arith.divsi %arg0, %jit3A : i32
    %sign3A = arith.constant 0 : i32
    %sign3A_0 = arith.cmpi sgt, %arg0, %sign3A : i32
    %sign3A_1 = arith.extui %sign3A_0 : i1 to i32
    %sign3A_2 = arith.constant 0 : i32
    %sign3A_3 = arith.cmpi slt, %arg0, %sign3A_2 : i32
    %sign3A_4 = arith.extui %sign3A_3 : i1 to i32
    %sign3A_5 = arith.subi %sign3A_1, %sign3A_4 : i32
    %sign3A_6 = arith.constant 0 : i32
    %sign3A_7 = arith.cmpi sgt, %jit3A, %sign3A_6 : i32
    %sign3A_8 = arith.extui %sign3A_7 : i1 to i32
    %sign3A_9 = arith.constant 0 : i32
    %sign3A_10 = arith.cmpi slt, %jit3A, %sign3A_9 : i32
    %sign3A_11 = arith.extui %sign3A_10 : i1 to i32
    %sign3A_12 = arith.subi %sign3A_8, %sign3A_11 : i32
    %ne3A = arith.cmpi ne, %sign3A_5, %sign3A_12 : i32
    %rem3A = arith.remsi %arg0, %jit3A : i32
    %ne3A_13 = arith.constant 0 : i32
    %ne3A_14 = arith.cmpi ne, %rem3A, %ne3A_13 : i32
    %and3A = arith.andi %ne3A, %ne3A_14 : i1
    %sub3A = arith.constant 1 : i32
    %sub3A_15 = arith.subi %div3A, %sub3A : i32
    %select_n3A = arith.select %and3A, %sub3A_15, %div3A : i32
    %jit3A_16 = arith.constant 2 : i32
    %eq3A = arith.constant 0 : i32
    %eq3A_17 = arith.cmpi eq, %jit3A_16, %eq3A : i32
    %jit3A_18 = arith.constant 1 : i32
    %select_n3A_19 = arith.select %eq3A_17, %jit3A_18, %jit3A_16 : i32
    %rem3A_20 = arith.remsi %arg0, %select_n3A_19 : i32
    %ne3A_21 = arith.constant 0 : i32
    %ne3A_22 = arith.cmpi ne, %rem3A_20, %ne3A_21 : i32
    %lt3A = arith.constant 0 : i32
    %lt3A_23 = arith.cmpi slt, %rem3A_20, %lt3A : i32
    %lt3A_24 = arith.constant 0 : i32
    %lt3A_25 = arith.cmpi slt, %select_n3A_19, %lt3A_24 : i32
    %ne3A_26 = arith.xori %lt3A_23, %lt3A_25 : i1
    %and3A_27 = arith.andi %ne3A_26, %ne3A_22 : i1
    %add3A = arith.addi %rem3A_20, %select_n3A_19 : i32
    %select_n3A_28 = arith.select %and3A_27, %add3A, %rem3A_20 : i32
    %c0_i32 = arith.constant 0 : i32
    %c0_i32_29 = arith.constant 0 : i32
    return %select_n3A, %select_n3A_28, %c0_i32 : i32, i32, i32
  }
  func.func @transform_2(%arg0: i32) -> (i32, i32) {
    %c0_i32 = arith.constant 0 : i32
    %c0_i32_0 = arith.constant 0 : i32
    %c0_i32_1 = arith.constant 0 : i32
    return %c0_i32, %c0_i32_0 : i32, i32
  }
  func.func @transform_3(%arg0: i32) -> (i32, i32) {
    %c0_i32 = arith.constant 0 : i32
    %c0_i32_0 = arith.constant 0 : i32
    %c0_i32_1 = arith.constant 0 : i32
    return %c0_i32, %c0_i32_0 : i32, i32
  }
  func.func @transform_4(%arg0: i32) -> (i32, i32) {
    %c0_i32 = arith.constant 0 : i32
    %c0_i32_0 = arith.constant 0 : i32
    %c0_i32_1 = arith.constant 0 : i32
    return %c0_i32, %c0_i32_0 : i32, i32
  }
}

module attributes {stable_mosaic.version = 14 : i64} {
  func.func @_hist_reduce_body(%arg0: memref<32x256xi32, #tpu.memory_space<vmem>>, %arg1: memref<1x256xi32, #tpu.memory_space<vmem>>) attributes {dimension_semantics = [], scalar_prefetch = 0 : i64, scratch_operands = 0 : i64, tpu.core_type = #tpu.core_type<tc>} {
    %get3A = arith.constant 0 : index
    %get3A_0 = arith.constant 0 : index
    %get3A_1 = vector.load %arg0[%get3A, %get3A_0] : memref<32x256xi32, #tpu.memory_space<vmem>>, vector<32x256xi32>
    %reduce_sum3A = arith.constant dense<0> : vector<256xi32>
    %reduce_sum3A_2 = vector.multi_reduction <add>, %get3A_1, %reduce_sum3A [0] : vector<32x256xi32> to vector<256xi32>
    %broadcast_in_dim3A = vector.shape_cast %reduce_sum3A_2 : vector<256xi32> to vector<1x256xi32>
    %swap3A = arith.constant 0 : index
    %swap3A_3 = arith.constant 0 : index
    %swap3A_4 = vector.load %arg1[%swap3A, %swap3A_3] : memref<1x256xi32, #tpu.memory_space<vmem>>, vector<1x256xi32>
    tpu.vector_store %arg1[%swap3A, %swap3A_3], %broadcast_in_dim3A {strides = array<i32>} : memref<1x256xi32, #tpu.memory_space<vmem>>, vector<1x256xi32>,
    return
  }
}

module attributes {stable_mosaic.version = 14 : i64} {
  func.func @_stats_body(%arg0: i32, %arg1: memref<1x19x256x512xf32, #tpu.memory_space<vmem>>, %arg2: memref<1x256x512xi32, #tpu.memory_space<vmem>>, %arg3: memref<1x1xf32, #tpu.memory_space<smem>>, %arg4: memref<1x1xf32, #tpu.memory_space<smem>>, %arg5: memref<1x1xf32, #tpu.memory_space<smem>>) attributes {dimension_semantics = [#tpu.dimension_semantics<arbitrary>], iteration_bounds = array<i64: 16>, scalar_prefetch = 0 : i64, scratch_operands = 0 : i64, tpu.core_type = #tpu.core_type<tc>, window_params = [{transform_indices = @transform_0, window_bounds = array<i64: 1, 19, 256, 512>}, {transform_indices = @transform_1, window_bounds = array<i64: 1, 256, 512>}, {transform_indices = @transform_2, window_bounds = array<i64: 1, 1>}, {transform_indices = @transform_3, window_bounds = array<i64: 1, 1>}, {transform_indices = @transform_4, window_bounds = array<i64: 1, 1>}]} {
    %get3A = arith.constant 0 : index
    %get3A_0 = arith.constant 0 : index
    %get3A_1 = arith.constant 0 : index
    %get3A_2 = vector.load %arg2[%get3A, %get3A_0, %get3A_1] : memref<1x256x512xi32, #tpu.memory_space<vmem>>, vector<1x256x512xi32>
    %get3A_3 = vector.shape_cast %get3A_2 : vector<1x256x512xi32> to vector<256x512xi32>
    %get3A_4 = arith.constant 0 : index
    %get3A_5 = arith.constant 0 : index
    %get3A_6 = arith.constant 0 : index
    %get3A_7 = arith.constant 0 : index
    %get3A_8 = vector.load %arg1[%get3A_4, %get3A_5, %get3A_6, %get3A_7] : memref<1x19x256x512xf32, #tpu.memory_space<vmem>>, vector<1x1x256x512xf32>
    %get3A_9 = vector.shape_cast %get3A_8 : vector<1x1x256x512xf32> to vector<256x512xf32>
    %get3A_10 = arith.constant 0 : index
    %get3A_11 = arith.constant 0 : index
    %get3A_12 = arith.constant 0 : index
    %get3A_13 = arith.constant 0 : index
    %get3A_14 = vector.load %arg1[%get3A_10, %get3A_11, %get3A_12, %get3A_13] : memref<1x19x256x512xf32, #tpu.memory_space<vmem>>, vector<1x1x256x512xf32>
    %get3A_15 = vector.shape_cast %get3A_14 : vector<1x1x256x512xf32> to vector<256x512xf32>
    %exp3A = math.exp %get3A_15 : vector<256x512xf32>
    %get3A_16 = arith.constant 0 : index
    %get3A_17 = arith.constant 1 : index
    %get3A_18 = arith.constant 0 : index
    %get3A_19 = arith.constant 0 : index
    %get3A_20 = vector.load %arg1[%get3A_16, %get3A_17, %get3A_18, %get3A_19] : memref<1x19x256x512xf32, #tpu.memory_space<vmem>>, vector<1x1x256x512xf32>
    %get3A_21 = vector.shape_cast %get3A_20 : vector<1x1x256x512xf32> to vector<256x512xf32>
    %exp3A_22 = math.exp %get3A_21 : vector<256x512xf32>
    %add3A = arith.addf %exp3A, %exp3A_22 : vector<256x512xf32>
    %eq3A = arith.constant 1 : i32
    %eq3A_23 = vector.broadcast %eq3A : i32 to vector<256x512xi32>
    %eq3A_24 = arith.cmpi eq, %get3A_3, %eq3A_23 : vector<256x512xi32>
    %select_n3A = arith.select %eq3A_24, %get3A_21, %get3A_9 : vector<256x512xi1>, vector<256x512xf32>
    %get3A_25 = arith.constant 0 : index
    %get3A_26 = arith.constant 2 : index
    %get3A_27 = arith.constant 0 : index
    %get3A_28 = arith.constant 0 : index
    %get3A_29 = vector.load %arg1[%get3A_25, %get3A_26, %get3A_27, %get3A_28] : memref<1x19x256x512xf32, #tpu.memory_space<vmem>>, vector<1x1x256x512xf32>
    %get3A_30 = vector.shape_cast %get3A_29 : vector<1x1x256x512xf32> to vector<256x512xf32>
    %exp3A_31 = math.exp %get3A_30 : vector<256x512xf32>
    %add3A_32 = arith.addf %add3A, %exp3A_31 : vector<256x512xf32>
    %eq3A_33 = arith.constant 2 : i32
    %eq3A_34 = vector.broadcast %eq3A_33 : i32 to vector<256x512xi32>
    %eq3A_35 = arith.cmpi eq, %get3A_3, %eq3A_34 : vector<256x512xi32>
    %select_n3A_36 = arith.select %eq3A_35, %get3A_30, %select_n3A : vector<256x512xi1>, vector<256x512xf32>
    %get3A_37 = arith.constant 0 : index
    %get3A_38 = arith.constant 3 : index
    %get3A_39 = arith.constant 0 : index
    %get3A_40 = arith.constant 0 : index
    %get3A_41 = vector.load %arg1[%get3A_37, %get3A_38, %get3A_39, %get3A_40] : memref<1x19x256x512xf32, #tpu.memory_space<vmem>>, vector<1x1x256x512xf32>
    %get3A_42 = vector.shape_cast %get3A_41 : vector<1x1x256x512xf32> to vector<256x512xf32>
    %exp3A_43 = math.exp %get3A_42 : vector<256x512xf32>
    %add3A_44 = arith.addf %add3A_32, %exp3A_43 : vector<256x512xf32>
    %eq3A_45 = arith.constant 3 : i32
    %eq3A_46 = vector.broadcast %eq3A_45 : i32 to vector<256x512xi32>
    %eq3A_47 = arith.cmpi eq, %get3A_3, %eq3A_46 : vector<256x512xi32>
    %select_n3A_48 = arith.select %eq3A_47, %get3A_42, %select_n3A_36 : vector<256x512xi1>, vector<256x512xf32>
    %get3A_49 = arith.constant 0 : index
    %get3A_50 = arith.constant 4 : index
    %get3A_51 = arith.constant 0 : index
    %get3A_52 = arith.constant 0 : index
    %get3A_53 = vector.load %arg1[%get3A_49, %get3A_50, %get3A_51, %get3A_52] : memref<1x19x256x512xf32, #tpu.memory_space<vmem>>, vector<1x1x256x512xf32>
    %get3A_54 = vector.shape_cast %get3A_53 : vector<1x1x256x512xf32> to vector<256x512xf32>
    %exp3A_55 = math.exp %get3A_54 : vector<256x512xf32>
    %add3A_56 = arith.addf %add3A_44, %exp3A_55 : vector<256x512xf32>
    %eq3A_57 = arith.constant 4 : i32
    %eq3A_58 = vector.broadcast %eq3A_57 : i32 to vector<256x512xi32>
    %eq3A_59 = arith.cmpi eq, %get3A_3, %eq3A_58 : vector<256x512xi32>
    %select_n3A_60 = arith.select %eq3A_59, %get3A_54, %select_n3A_48 : vector<256x512xi1>, vector<256x512xf32>
    %get3A_61 = arith.constant 0 : index
    %get3A_62 = arith.constant 5 : index
    %get3A_63 = arith.constant 0 : index
    %get3A_64 = arith.constant 0 : index
    %get3A_65 = vector.load %arg1[%get3A_61, %get3A_62, %get3A_63, %get3A_64] : memref<1x19x256x512xf32, #tpu.memory_space<vmem>>, vector<1x1x256x512xf32>
    %get3A_66 = vector.shape_cast %get3A_65 : vector<1x1x256x512xf32> to vector<256x512xf32>
    %exp3A_67 = math.exp %get3A_66 : vector<256x512xf32>
    %add3A_68 = arith.addf %add3A_56, %exp3A_67 : vector<256x512xf32>
    %eq3A_69 = arith.constant 5 : i32
    %eq3A_70 = vector.broadcast %eq3A_69 : i32 to vector<256x512xi32>
    %eq3A_71 = arith.cmpi eq, %get3A_3, %eq3A_70 : vector<256x512xi32>
    %select_n3A_72 = arith.select %eq3A_71, %get3A_66, %select_n3A_60 : vector<256x512xi1>, vector<256x512xf32>
    %get3A_73 = arith.constant 0 : index
    %get3A_74 = arith.constant 6 : index
    %get3A_75 = arith.constant 0 : index
    %get3A_76 = arith.constant 0 : index
    %get3A_77 = vector.load %arg1[%get3A_73, %get3A_74, %get3A_75, %get3A_76] : memref<1x19x256x512xf32, #tpu.memory_space<vmem>>, vector<1x1x256x512xf32>
    %get3A_78 = vector.shape_cast %get3A_77 : vector<1x1x256x512xf32> to vector<256x512xf32>
    %exp3A_79 = math.exp %get3A_78 : vector<256x512xf32>
    %add3A_80 = arith.addf %add3A_68, %exp3A_79 : vector<256x512xf32>
    %eq3A_81 = arith.constant 6 : i32
    %eq3A_82 = vector.broadcast %eq3A_81 : i32 to vector<256x512xi32>
    %eq3A_83 = arith.cmpi eq, %get3A_3, %eq3A_82 : vector<256x512xi32>
    %select_n3A_84 = arith.select %eq3A_83, %get3A_78, %select_n3A_72 : vector<256x512xi1>, vector<256x512xf32>
    %get3A_85 = arith.constant 0 : index
    %get3A_86 = arith.constant 7 : index
    %get3A_87 = arith.constant 0 : index
    %get3A_88 = arith.constant 0 : index
    %get3A_89 = vector.load %arg1[%get3A_85, %get3A_86, %get3A_87, %get3A_88] : memref<1x19x256x512xf32, #tpu.memory_space<vmem>>, vector<1x1x256x512xf32>
    %get3A_90 = vector.shape_cast %get3A_89 : vector<1x1x256x512xf32> to vector<256x512xf32>
    %exp3A_91 = math.exp %get3A_90 : vector<256x512xf32>
    %add3A_92 = arith.addf %add3A_80, %exp3A_91 : vector<256x512xf32>
    %eq3A_93 = arith.constant 7 : i32
    %eq3A_94 = vector.broadcast %eq3A_93 : i32 to vector<256x512xi32>
    %eq3A_95 = arith.cmpi eq, %get3A_3, %eq3A_94 : vector<256x512xi32>
    %select_n3A_96 = arith.select %eq3A_95, %get3A_90, %select_n3A_84 : vector<256x512xi1>, vector<256x512xf32>
    %get3A_97 = arith.constant 0 : index
    %get3A_98 = arith.constant 8 : index
    %get3A_99 = arith.constant 0 : index
    %get3A_100 = arith.constant 0 : index
    %get3A_101 = vector.load %arg1[%get3A_97, %get3A_98, %get3A_99, %get3A_100] : memref<1x19x256x512xf32, #tpu.memory_space<vmem>>, vector<1x1x256x512xf32>
    %get3A_102 = vector.shape_cast %get3A_101 : vector<1x1x256x512xf32> to vector<256x512xf32>
    %exp3A_103 = math.exp %get3A_102 : vector<256x512xf32>
    %add3A_104 = arith.addf %add3A_92, %exp3A_103 : vector<256x512xf32>
    %eq3A_105 = arith.constant 8 : i32
    %eq3A_106 = vector.broadcast %eq3A_105 : i32 to vector<256x512xi32>
    %eq3A_107 = arith.cmpi eq, %get3A_3, %eq3A_106 : vector<256x512xi32>
    %select_n3A_108 = arith.select %eq3A_107, %get3A_102, %select_n3A_96 : vector<256x512xi1>, vector<256x512xf32>
    %get3A_109 = arith.constant 0 : index
    %get3A_110 = arith.constant 9 : index
    %get3A_111 = arith.constant 0 : index
    %get3A_112 = arith.constant 0 : index
    %get3A_113 = vector.load %arg1[%get3A_109, %get3A_110, %get3A_111, %get3A_112] : memref<1x19x256x512xf32, #tpu.memory_space<vmem>>, vector<1x1x256x512xf32>
    %get3A_114 = vector.shape_cast %get3A_113 : vector<1x1x256x512xf32> to vector<256x512xf32>
    %exp3A_115 = math.exp %get3A_114 : vector<256x512xf32>
    %add3A_116 = arith.addf %add3A_104, %exp3A_115 : vector<256x512xf32>
    %eq3A_117 = arith.constant 9 : i32
    %eq3A_118 = vector.broadcast %eq3A_117 : i32 to vector<256x512xi32>
    %eq3A_119 = arith.cmpi eq, %get3A_3, %eq3A_118 : vector<256x512xi32>
    %select_n3A_120 = arith.select %eq3A_119, %get3A_114, %select_n3A_108 : vector<256x512xi1>, vector<256x512xf32>
    %get3A_121 = arith.constant 0 : index
    %get3A_122 = arith.constant 10 : index
    %get3A_123 = arith.constant 0 : index
    %get3A_124 = arith.constant 0 : index
    %get3A_125 = vector.load %arg1[%get3A_121, %get3A_122, %get3A_123, %get3A_124] : memref<1x19x256x512xf32, #tpu.memory_space<vmem>>, vector<1x1x256x512xf32>
    %get3A_126 = vector.shape_cast %get3A_125 : vector<1x1x256x512xf32> to vector<256x512xf32>
    %exp3A_127 = math.exp %get3A_126 : vector<256x512xf32>
    %add3A_128 = arith.addf %add3A_116, %exp3A_127 : vector<256x512xf32>
    %eq3A_129 = arith.constant 10 : i32
    %eq3A_130 = vector.broadcast %eq3A_129 : i32 to vector<256x512xi32>
    %eq3A_131 = arith.cmpi eq, %get3A_3, %eq3A_130 : vector<256x512xi32>
    %select_n3A_132 = arith.select %eq3A_131, %get3A_126, %select_n3A_120 : vector<256x512xi1>, vector<256x512xf32>
    %get3A_133 = arith.constant 0 : index
    %get3A_134 = arith.constant 11 : index
    %get3A_135 = arith.constant 0 : index
    %get3A_136 = arith.constant 0 : index
    %get3A_137 = vector.load %arg1[%get3A_133, %get3A_134, %get3A_135, %get3A_136] : memref<1x19x256x512xf32, #tpu.memory_space<vmem>>, vector<1x1x256x512xf32>
    %get3A_138 = vector.shape_cast %get3A_137 : vector<1x1x256x512xf32> to vector<256x512xf32>
    %exp3A_139 = math.exp %get3A_138 : vector<256x512xf32>
    %add3A_140 = arith.addf %add3A_128, %exp3A_139 : vector<256x512xf32>
    %eq3A_141 = arith.constant 11 : i32
    %eq3A_142 = vector.broadcast %eq3A_141 : i32 to vector<256x512xi32>
    %eq3A_143 = arith.cmpi eq, %get3A_3, %eq3A_142 : vector<256x512xi32>
    %select_n3A_144 = arith.select %eq3A_143, %get3A_138, %select_n3A_132 : vector<256x512xi1>, vector<256x512xf32>
    %get3A_145 = arith.constant 0 : index
    %get3A_146 = arith.constant 12 : index
    %get3A_147 = arith.constant 0 : index
    %get3A_148 = arith.constant 0 : index
    %get3A_149 = vector.load %arg1[%get3A_145, %get3A_146, %get3A_147, %get3A_148] : memref<1x19x256x512xf32, #tpu.memory_space<vmem>>, vector<1x1x256x512xf32>
    %get3A_150 = vector.shape_cast %get3A_149 : vector<1x1x256x512xf32> to vector<256x512xf32>
    %exp3A_151 = math.exp %get3A_150 : vector<256x512xf32>
    %add3A_152 = arith.addf %add3A_140, %exp3A_151 : vector<256x512xf32>
    %eq3A_153 = arith.constant 12 : i32
    %eq3A_154 = vector.broadcast %eq3A_153 : i32 to vector<256x512xi32>
    %eq3A_155 = arith.cmpi eq, %get3A_3, %eq3A_154 : vector<256x512xi32>
    %select_n3A_156 = arith.select %eq3A_155, %get3A_150, %select_n3A_144 : vector<256x512xi1>, vector<256x512xf32>
    %get3A_157 = arith.constant 0 : index
    %get3A_158 = arith.constant 13 : index
    %get3A_159 = arith.constant 0 : index
    %get3A_160 = arith.constant 0 : index
    %get3A_161 = vector.load %arg1[%get3A_157, %get3A_158, %get3A_159, %get3A_160] : memref<1x19x256x512xf32, #tpu.memory_space<vmem>>, vector<1x1x256x512xf32>
    %get3A_162 = vector.shape_cast %get3A_161 : vector<1x1x256x512xf32> to vector<256x512xf32>
    %exp3A_163 = math.exp %get3A_162 : vector<256x512xf32>
    %add3A_164 = arith.addf %add3A_152, %exp3A_163 : vector<256x512xf32>
    %eq3A_165 = arith.constant 13 : i32
    %eq3A_166 = vector.broadcast %eq3A_165 : i32 to vector<256x512xi32>
    %eq3A_167 = arith.cmpi eq, %get3A_3, %eq3A_166 : vector<256x512xi32>
    %select_n3A_168 = arith.select %eq3A_167, %get3A_162, %select_n3A_156 : vector<256x512xi1>, vector<256x512xf32>
    %get3A_169 = arith.constant 0 : index
    %get3A_170 = arith.constant 14 : index
    %get3A_171 = arith.constant 0 : index
    %get3A_172 = arith.constant 0 : index
    %get3A_173 = vector.load %arg1[%get3A_169, %get3A_170, %get3A_171, %get3A_172] : memref<1x19x256x512xf32, #tpu.memory_space<vmem>>, vector<1x1x256x512xf32>
    %get3A_174 = vector.shape_cast %get3A_173 : vector<1x1x256x512xf32> to vector<256x512xf32>
    %exp3A_175 = math.exp %get3A_174 : vector<256x512xf32>
    %add3A_176 = arith.addf %add3A_164, %exp3A_175 : vector<256x512xf32>
    %eq3A_177 = arith.constant 14 : i32
    %eq3A_178 = vector.broadcast %eq3A_177 : i32 to vector<256x512xi32>
    %eq3A_179 = arith.cmpi eq, %get3A_3, %eq3A_178 : vector<256x512xi32>
    %select_n3A_180 = arith.select %eq3A_179, %get3A_174, %select_n3A_168 : vector<256x512xi1>, vector<256x512xf32>
    %get3A_181 = arith.constant 0 : index
    %get3A_182 = arith.constant 15 : index
    %get3A_183 = arith.constant 0 : index
    %get3A_184 = arith.constant 0 : index
    %get3A_185 = vector.load %arg1[%get3A_181, %get3A_182, %get3A_183, %get3A_184] : memref<1x19x256x512xf32, #tpu.memory_space<vmem>>, vector<1x1x256x512xf32>
    %get3A_186 = vector.shape_cast %get3A_185 : vector<1x1x256x512xf32> to vector<256x512xf32>
    %exp3A_187 = math.exp %get3A_186 : vector<256x512xf32>
    %add3A_188 = arith.addf %add3A_176, %exp3A_187 : vector<256x512xf32>
    %eq3A_189 = arith.constant 15 : i32
    %eq3A_190 = vector.broadcast %eq3A_189 : i32 to vector<256x512xi32>
    %eq3A_191 = arith.cmpi eq, %get3A_3, %eq3A_190 : vector<256x512xi32>
    %select_n3A_192 = arith.select %eq3A_191, %get3A_186, %select_n3A_180 : vector<256x512xi1>, vector<256x512xf32>
    %get3A_193 = arith.constant 0 : index
    %get3A_194 = arith.constant 16 : index
    %get3A_195 = arith.constant 0 : index
    %get3A_196 = arith.constant 0 : index
    %get3A_197 = vector.load %arg1[%get3A_193, %get3A_194, %get3A_195, %get3A_196] : memref<1x19x256x512xf32, #tpu.memory_space<vmem>>, vector<1x1x256x512xf32>
    %get3A_198 = vector.shape_cast %get3A_197 : vector<1x1x256x512xf32> to vector<256x512xf32>
    %exp3A_199 = math.exp %get3A_198 : vector<256x512xf32>
    %add3A_200 = arith.addf %add3A_188, %exp3A_199 : vector<256x512xf32>
    %eq3A_201 = arith.constant 16 : i32
    %eq3A_202 = vector.broadcast %eq3A_201 : i32 to vector<256x512xi32>
    %eq3A_203 = arith.cmpi eq, %get3A_3, %eq3A_202 : vector<256x512xi32>
    %select_n3A_204 = arith.select %eq3A_203, %get3A_198, %select_n3A_192 : vector<256x512xi1>, vector<256x512xf32>
    %get3A_205 = arith.constant 0 : index
    %get3A_206 = arith.constant 17 : index
    %get3A_207 = arith.constant 0 : index
    %get3A_208 = arith.constant 0 : index
    %get3A_209 = vector.load %arg1[%get3A_205, %get3A_206, %get3A_207, %get3A_208] : memref<1x19x256x512xf32, #tpu.memory_space<vmem>>, vector<1x1x256x512xf32>
    %get3A_210 = vector.shape_cast %get3A_209 : vector<1x1x256x512xf32> to vector<256x512xf32>
    %exp3A_211 = math.exp %get3A_210 : vector<256x512xf32>
    %add3A_212 = arith.addf %add3A_200, %exp3A_211 : vector<256x512xf32>
    %eq3A_213 = arith.constant 17 : i32
    %eq3A_214 = vector.broadcast %eq3A_213 : i32 to vector<256x512xi32>
    %eq3A_215 = arith.cmpi eq, %get3A_3, %eq3A_214 : vector<256x512xi32>
    %select_n3A_216 = arith.select %eq3A_215, %get3A_210, %select_n3A_204 : vector<256x512xi1>, vector<256x512xf32>
    %get3A_217 = arith.constant 0 : index
    %get3A_218 = arith.constant 18 : index
    %get3A_219 = arith.constant 0 : index
    %get3A_220 = arith.constant 0 : index
    %get3A_221 = vector.load %arg1[%get3A_217, %get3A_218, %get3A_219, %get3A_220] : memref<1x19x256x512xf32, #tpu.memory_space<vmem>>, vector<1x1x256x512xf32>
    %get3A_222 = vector.shape_cast %get3A_221 : vector<1x1x256x512xf32> to vector<256x512xf32>
    %exp3A_223 = math.exp %get3A_222 : vector<256x512xf32>
    %add3A_224 = arith.addf %add3A_212, %exp3A_223 : vector<256x512xf32>
    %eq3A_225 = arith.constant 18 : i32
    %eq3A_226 = vector.broadcast %eq3A_225 : i32 to vector<256x512xi32>
    %eq3A_227 = arith.cmpi eq, %get3A_3, %eq3A_226 : vector<256x512xi32>
    %select_n3A_228 = arith.select %eq3A_227, %get3A_222, %select_n3A_216 : vector<256x512xi1>, vector<256x512xf32>
    %log3A = math.log %add3A_224 : vector<256x512xf32>
    %sub3A = arith.subf %select_n3A_228, %log3A : vector<256x512xf32>
    %exp3A_229 = math.exp %sub3A : vector<256x512xf32>
    %get3A_230 = arith.constant 0 : index
    %get3A_231 = arith.constant 0 : index
    %get3A_232 = memref.load %arg3[%get3A_230, %get3A_231] : memref<1x1xf32, #tpu.memory_space<smem>>
    %le3A = vector.broadcast %get3A_232 : f32 to vector<256x512xf32>
    %le3A_233 = arith.cmpf ole, %exp3A_229, %le3A : vector<256x512xf32>
    %convert_element_type3A = arith.extui %le3A_233 : vector<256x512xi1> to vector<256x512xi32>
    %convert_element_type3A_234 = arith.sitofp %convert_element_type3A : vector<256x512xi32> to vector<256x512xf32>
    %reduce_sum3A = vector.shape_cast %convert_element_type3A_234 : vector<256x512xf32> to vector<1x256x512xf32>
    %reduce_sum3A_235 = arith.constant dense<0.000000e+00> : vector<1xf32>
    %reduce_sum3A_236 = vector.multi_reduction <add>, %reduce_sum3A, %reduce_sum3A_235 [1, 2] : vector<1x256x512xf32> to vector<1xf32>
    %reduce_sum3A_237 = vector.shape_cast %reduce_sum3A_236 : vector<1xf32> to vector<1x1x1xf32>
    %reduce_sum3A_238 = vector.extract %reduce_sum3A_237[0, 0, 0] : f32 from vector<1x1x1xf32>
    %neg3A = arith.constant 0.000000e+00 : f32
    %neg3A_239 = vector.broadcast %neg3A : f32 to vector<256x512xf32>
    %neg3A_240 = arith.subf %neg3A_239, %sub3A : vector<256x512xf32>
    %jit3A = arith.constant 0.000000e+00 : f32
    %broadcast_in_dim3A = vector.broadcast %jit3A : f32 to vector<256x512xf32>
    %select_n3A_241 = arith.select %le3A_233, %neg3A_240, %broadcast_in_dim3A : vector<256x512xi1>, vector<256x512xf32>
    %reduce_sum3A_242 = vector.shape_cast %select_n3A_241 : vector<256x512xf32> to vector<1x256x512xf32>
    %reduce_sum3A_243 = arith.constant dense<0.000000e+00> : vector<1xf32>
    %reduce_sum3A_244 = vector.multi_reduction <add>, %reduce_sum3A_242, %reduce_sum3A_243 [1, 2] : vector<1x256x512xf32> to vector<1xf32>
    %reduce_sum3A_245 = vector.shape_cast %reduce_sum3A_244 : vector<1xf32> to vector<1x1x1xf32>
    %reduce_sum3A_246 = vector.extract %reduce_sum3A_245[0, 0, 0] : f32 from vector<1x1x1xf32>
    %eq3A_247 = arith.constant 0 : i32
    %eq3A_248 = arith.cmpi eq, %arg0, %eq3A_247 : i32
    %convert_element_type3A_249 = arith.extui %eq3A_248 : i1 to i32
    %cond3A = arith.constant 0 : i32
    %cond3A_250 = arith.cmpi ne, %convert_element_type3A_249, %cond3A : i32
    scf.if %cond3A_250 {
      %swap3A_264 = arith.constant 0.000000e+00 : f32
      %swap3A_265 = arith.constant 0 : index
      %swap3A_266 = arith.constant 0 : index
      %swap3A_267 = memref.load %arg4[%swap3A_265, %swap3A_266] : memref<1x1xf32, #tpu.memory_space<smem>>
      memref.store %swap3A_264, %arg4[%swap3A_265, %swap3A_266] : memref<1x1xf32, #tpu.memory_space<smem>>
      %swap3A_268 = arith.constant 0.000000e+00 : f32
      %swap3A_269 = arith.constant 0 : index
      %swap3A_270 = arith.constant 0 : index
      %swap3A_271 = memref.load %arg5[%swap3A_269, %swap3A_270] : memref<1x1xf32, #tpu.memory_space<smem>>
      memref.store %swap3A_268, %arg5[%swap3A_269, %swap3A_270] : memref<1x1xf32, #tpu.memory_space<smem>>
    } else {
    }
    %get3A_251 = arith.constant 0 : index
    %get3A_252 = arith.constant 0 : index
    %get3A_253 = memref.load %arg4[%get3A_251, %get3A_252] : memref<1x1xf32, #tpu.memory_space<smem>>
    %add3A_254 = arith.addf %get3A_253, %reduce_sum3A_238 : f32
    %swap3A = arith.constant 0 : index
    %swap3A_255 = arith.constant 0 : index
    %swap3A_256 = memref.load %arg4[%swap3A, %swap3A_255] : memref<1x1xf32, #tpu.memory_space<smem>>
    memref.store %add3A_254, %arg4[%swap3A, %swap3A_255] : memref<1x1xf32, #tpu.memory_space<smem>>
    %get3A_257 = arith.constant 0 : index
    %get3A_258 = arith.constant 0 : index
    %get3A_259 = memref.load %arg5[%get3A_257, %get3A_258] : memref<1x1xf32, #tpu.memory_space<smem>>
    %add3A_260 = arith.addf %get3A_259, %reduce_sum3A_246 : f32
    %swap3A_261 = arith.constant 0 : index
    %swap3A_262 = arith.constant 0 : index
    %swap3A_263 = memref.load %arg5[%swap3A_261, %swap3A_262] : memref<1x1xf32, #tpu.memory_space<smem>>
    memref.store %add3A_260, %arg5[%swap3A_261, %swap3A_262] : memref<1x1xf32, #tpu.memory_space<smem>>
    return
  }
  func.func @transform_0(%arg0: i32) -> (i32, i32, i32, i32) {
    %jit3A = arith.constant 2 : i32
    %div3A = arith.divsi %arg0, %jit3A : i32
    %sign3A = arith.constant 0 : i32
    %sign3A_0 = arith.cmpi sgt, %arg0, %sign3A : i32
    %sign3A_1 = arith.extui %sign3A_0 : i1 to i32
    %sign3A_2 = arith.constant 0 : i32
    %sign3A_3 = arith.cmpi slt, %arg0, %sign3A_2 : i32
    %sign3A_4 = arith.extui %sign3A_3 : i1 to i32
    %sign3A_5 = arith.subi %sign3A_1, %sign3A_4 : i32
    %sign3A_6 = arith.constant 0 : i32
    %sign3A_7 = arith.cmpi sgt, %jit3A, %sign3A_6 : i32
    %sign3A_8 = arith.extui %sign3A_7 : i1 to i32
    %sign3A_9 = arith.constant 0 : i32
    %sign3A_10 = arith.cmpi slt, %jit3A, %sign3A_9 : i32
    %sign3A_11 = arith.extui %sign3A_10 : i1 to i32
    %sign3A_12 = arith.subi %sign3A_8, %sign3A_11 : i32
    %ne3A = arith.cmpi ne, %sign3A_5, %sign3A_12 : i32
    %rem3A = arith.remsi %arg0, %jit3A : i32
    %ne3A_13 = arith.constant 0 : i32
    %ne3A_14 = arith.cmpi ne, %rem3A, %ne3A_13 : i32
    %and3A = arith.andi %ne3A, %ne3A_14 : i1
    %sub3A = arith.constant 1 : i32
    %sub3A_15 = arith.subi %div3A, %sub3A : i32
    %select_n3A = arith.select %and3A, %sub3A_15, %div3A : i32
    %jit3A_16 = arith.constant 2 : i32
    %eq3A = arith.constant 0 : i32
    %eq3A_17 = arith.cmpi eq, %jit3A_16, %eq3A : i32
    %jit3A_18 = arith.constant 1 : i32
    %select_n3A_19 = arith.select %eq3A_17, %jit3A_18, %jit3A_16 : i32
    %rem3A_20 = arith.remsi %arg0, %select_n3A_19 : i32
    %ne3A_21 = arith.constant 0 : i32
    %ne3A_22 = arith.cmpi ne, %rem3A_20, %ne3A_21 : i32
    %lt3A = arith.constant 0 : i32
    %lt3A_23 = arith.cmpi slt, %rem3A_20, %lt3A : i32
    %lt3A_24 = arith.constant 0 : i32
    %lt3A_25 = arith.cmpi slt, %select_n3A_19, %lt3A_24 : i32
    %ne3A_26 = arith.xori %lt3A_23, %lt3A_25 : i1
    %and3A_27 = arith.andi %ne3A_26, %ne3A_22 : i1
    %add3A = arith.addi %rem3A_20, %select_n3A_19 : i32
    %select_n3A_28 = arith.select %and3A_27, %add3A, %rem3A_20 : i32
    %c0_i32 = arith.constant 0 : i32
    %c0_i32_29 = arith.constant 0 : i32
    %c0_i32_30 = arith.constant 0 : i32
    return %select_n3A, %c0_i32, %select_n3A_28, %c0_i32_29 : i32, i32, i32, i32
  }
  func.func @transform_1(%arg0: i32) -> (i32, i32, i32) {
    %jit3A = arith.constant 2 : i32
    %div3A = arith.divsi %arg0, %jit3A : i32
    %sign3A = arith.constant 0 : i32
    %sign3A_0 = arith.cmpi sgt, %arg0, %sign3A : i32
    %sign3A_1 = arith.extui %sign3A_0 : i1 to i32
    %sign3A_2 = arith.constant 0 : i32
    %sign3A_3 = arith.cmpi slt, %arg0, %sign3A_2 : i32
    %sign3A_4 = arith.extui %sign3A_3 : i1 to i32
    %sign3A_5 = arith.subi %sign3A_1, %sign3A_4 : i32
    %sign3A_6 = arith.constant 0 : i32
    %sign3A_7 = arith.cmpi sgt, %jit3A, %sign3A_6 : i32
    %sign3A_8 = arith.extui %sign3A_7 : i1 to i32
    %sign3A_9 = arith.constant 0 : i32
    %sign3A_10 = arith.cmpi slt, %jit3A, %sign3A_9 : i32
    %sign3A_11 = arith.extui %sign3A_10 : i1 to i32
    %sign3A_12 = arith.subi %sign3A_8, %sign3A_11 : i32
    %ne3A = arith.cmpi ne, %sign3A_5, %sign3A_12 : i32
    %rem3A = arith.remsi %arg0, %jit3A : i32
    %ne3A_13 = arith.constant 0 : i32
    %ne3A_14 = arith.cmpi ne, %rem3A, %ne3A_13 : i32
    %and3A = arith.andi %ne3A, %ne3A_14 : i1
    %sub3A = arith.constant 1 : i32
    %sub3A_15 = arith.subi %div3A, %sub3A : i32
    %select_n3A = arith.select %and3A, %sub3A_15, %div3A : i32
    %jit3A_16 = arith.constant 2 : i32
    %eq3A = arith.constant 0 : i32
    %eq3A_17 = arith.cmpi eq, %jit3A_16, %eq3A : i32
    %jit3A_18 = arith.constant 1 : i32
    %select_n3A_19 = arith.select %eq3A_17, %jit3A_18, %jit3A_16 : i32
    %rem3A_20 = arith.remsi %arg0, %select_n3A_19 : i32
    %ne3A_21 = arith.constant 0 : i32
    %ne3A_22 = arith.cmpi ne, %rem3A_20, %ne3A_21 : i32
    %lt3A = arith.constant 0 : i32
    %lt3A_23 = arith.cmpi slt, %rem3A_20, %lt3A : i32
    %lt3A_24 = arith.constant 0 : i32
    %lt3A_25 = arith.cmpi slt, %select_n3A_19, %lt3A_24 : i32
    %ne3A_26 = arith.xori %lt3A_23, %lt3A_25 : i1
    %and3A_27 = arith.andi %ne3A_26, %ne3A_22 : i1
    %add3A = arith.addi %rem3A_20, %select_n3A_19 : i32
    %select_n3A_28 = arith.select %and3A_27, %add3A, %rem3A_20 : i32
    %c0_i32 = arith.constant 0 : i32
    %c0_i32_29 = arith.constant 0 : i32
    return %select_n3A, %select_n3A_28, %c0_i32 : i32, i32, i32
  }
  func.func @transform_2(%arg0: i32) -> (i32, i32) {
    %c0_i32 = arith.constant 0 : i32
    %c0_i32_0 = arith.constant 0 : i32
    %c0_i32_1 = arith.constant 0 : i32
    return %c0_i32, %c0_i32_0 : i32, i32
  }
  func.func @transform_3(%arg0: i32) -> (i32, i32) {
    %c0_i32 = arith.constant 0 : i32
    %c0_i32_0 = arith.constant 0 : i32
    %c0_i32_1 = arith.constant 0 : i32
    return %c0_i32, %c0_i32_0 : i32, i32
  }
  func.func @transform_4(%arg0: i32) -> (i32, i32) {
    %c0_i32 = arith.constant 0 : i32
    %c0_i32_0 = arith.constant 0 : i32
    %c0_i32_1 = arith.constant 0 : i32
    return %c0_i32, %c0_i32_0 : i32, i32
  }
}

</mosaic_0001>

<sc_bundles>
// kernel: branch_0_fun.17.cloned.1.call-start
scs
__scs_entry_jumppad:
0x0: {  	(pc) =	sbr.rel $0x88, $3  }
0x1: {  	(tag) =	ssettag $0x0;
	lr =	simm.s32 $0x1  }
0x2: {  	[smem:$0x3F9F] =	sst lr;
	_ =	strace $0xD0000000  }
0x3: {  	_ = 	snop  }
0x4: {  	_ = 	snop  }
0x5: {  	_ = 	snop  }
0x6: {  	_ = 	snop  }
0x7: {  	_ = 	snop  }
__scs_overlays_trampoline_lowered:
0x8: {  	[smem:$0x3FAE] =	sst s0  }
0x9: {  	[smem:$0x3FAF] =	sst s1  }
0xa: {  	[smem:$0x3FB0] =	sst s2  }
0xb: {  	[smem:$0x3FB1] =	sst s3  }
0xc: {  	[smem:$0x3FB2] =	sst s4  }
0xd: {  	[smem:$0x3FB3] =	sst s5  }
0xe: {  	[smem:$0x3FB4] =	sst s6  }
0xf: {  	[smem:$0x3FB5] =	sst s7  }
0x10: {  	[smem:$0x3FB6] =	sst s8  }
0x11: {  	[smem:$0x3FB7] =	sst s9;
	s0 =	simm.s32 @!p0 $0x0  }
0x12: {  	s1 =	sld [smem:$0x3F9D];
	s0 =	simm.s32 @p0 $0x1  }
0x13: {  	[smem:$0x3FB8] =	sst s0;
	s0 =	simm.s32 @!p1 $0x0  }
0x14: {  	s2 =	sld [smem:$0x3F9C];
	s0 =	simm.s32 @p1 $0x1  }
0x15: {  	[smem:$0x3FB9] =	sst s0;
	s0 =	simm.s32 @!p2 $0x0  }
0x16: {  	s3 =	sld [smem:$0x3FDB];
	s0 =	simm.s32 @p2 $0x1  }
0x17: {  	s4 =	simm.s32 $0x1BF5;
	[smem:$0x3FBB] =	sst s0  }
0x18: {  	s0 =	sld [smem:$0x3F9E];
	_ =	swait.ge [sflag:s4], $0x0  }
0x19: {  	s7 =	sld [smem:$0x3F9F]  }
0x1a: {  	s8 =	sadd.s32 $0xFFFFE003, lr  }
0x1b: {  	s9 =	sadd.s32 $0xFFFFFEF7, lr;
	s5 =	simm.s32 $0xFFFFFFFF;
	p2 =	slt.u32 s8, $0xFFFFF086  }
0x1c: {  	p1 =	slt.u32 s9, $0xF7A;
	s5 =	simm.s32 @!p2 $0x0  }
0x1d: {  	s5 =	simm.s32 @p1 $0x1;
	p0 =	seq.s32 s7, s2  }
0x1e: {  	s7 =	smul.u32 @!p0 $0xF7A, s2;
	p2 =	seq.s32 @!p0 s5, $0x0  }
0x1f: {  	s9 =	smul.u32 $0xF7A, s1;
	s8 =	simm.s32 @!p0 $0x1BF5;
	p2 =	por !p2, p0  }
0x20: {  	[sflag:s8] =	ssyncset.s32 @!p0 $0xFFFFF086;
	s6 =	sadd.s32 @!p0 s3, s7;
	s7 =	simm.s32 @!p0 $0x108  }
0x21: {  	s3 =	sadd.s32 s3, s9;
	s6 =	sadd.s32 @!p0 $0x88, s6;
	s7 =	simm.s32 @p2 $0x1082  }
0x22: {  	[simem:s7], [sflag:s8] =	dma.local @!p0 [hbm:s6], $0xF7A  }
0x23: {  	s9 =	sor.u32 $0xD0000000, s2;
	s6 =	simm.s32 $0x108;
	_ =	swait.ge @!p0 [sflag:s8], $0x0  }
0x24: {  	s3 =	sadd.s32 $0x88, s3;
	s6 =	simm.s32 @!p1 $0x1082;
	[sflag:s4] =	ssyncset.s32 $0xFFFFF086  }
0x25: {  	[simem:s6], [sflag:s4] =	dma.local [hbm:s3], $0xF7A  }
0x26: {  	[smem:$0x3F9F] =	sst s1;
	(tag) =	ssettag s2;
	_ =	strace s9  }
0x27: {  	s1 =	sld [smem:$0x3FAF]  }
0x28: {  	s2 =	sld [smem:$0x3FB0]  }
0x29: {  	s4 =	sld [smem:$0x3FB2]  }
0x2a: {  	p0 =	seq.s32 s5, $0x0;
	s5 =	sld [smem:$0x3FB3]  }
0x2b: {  	s6 =	sld [smem:$0x3FB4]  }
0x2c: {  	s7 =	sld [smem:$0x3FB5]  }
0x2d: {  	s3 =	simm.s32 $0x108;
	s8 =	sld [smem:$0x3FB6]  }
0x2e: {  	s3 =	simm.s32 @!p0 $0x1082;
	s9 =	sld [smem:$0x3FB7]  }
0x2f: {  	lr =	sadd.s32 s0, s3;
	s0 =	sld [smem:$0x3FAE]  }
0x30: {  	s3 =	sld [smem:$0x3FB1]  }
0x31: {  	[smem:$0x3FBA] =	sst s10  }
0x32: {  	s10 =	sld [smem:$0x3FB8];
	_ =	sdelay $0x3  }
0x33: {  	p0 =	seq.s32 s10, $0x1;
	s10 =	sld [smem:$0x3FBA];
	_ =	sdelay $0x3  }
0x34: {  	[smem:$0x3FBA] =	sst s10  }
0x35: {  	s10 =	sld [smem:$0x3FB9];
	_ =	sdelay $0x3  }
0x36: {  	p1 =	seq.s32 s10, $0x1;
	s10 =	sld [smem:$0x3FBA];
	_ =	sdelay $0x3  }
0x37: {  	[smem:$0x3FBA] =	sst s10  }
0x38: {  	s10 =	sld [smem:$0x3FBB]  }
0x39: {  	_ = 	snop;
	(pc) =	sbr.ind lr, $3  }
0x3a: {  	_ = 	snop  }
0x3b: {  	_ = 	snop  }
0x3c: {  	p2 =	seq.s32 s10, $0x1;
	s10 =	sld [smem:$0x3FBA]  }
0x3d: {  	_ =	shalt  }
0x3e: {  	_ =	shalt  }
0x3f: {  	_ =	shalt  }
0x40: {  	_ =	shalt  }
0x41: {  	_ =	shalt  }
0x42: {  	_ =	shalt  }
0x43: {  	_ =	shalt  }
0x44: {  	_ =	shalt  }
0x45: {  	_ =	shalt  }
0x46: {  	_ =	shalt  }
0x47: {  	_ =	shalt  }
0x48: {  	_ =	shalt  }
0x49: {  	_ =	shalt  }
0x4a: {  	_ =	shalt  }
0x4b: {  	_ =	shalt  }
0x4c: {  	_ =	shalt  }
0x4d: {  	_ =	shalt  }
0x4e: {  	_ =	shalt  }
0x4f: {  	_ =	shalt  }
0x50: {  	_ =	shalt  }
0x51: {  	_ =	shalt  }
0x52: {  	_ =	shalt  }
0x53: {  	_ =	shalt  }
0x54: {  	_ =	shalt  }
0x55: {  	_ =	shalt  }
0x56: {  	_ =	shalt  }
0x57: {  	_ =	shalt  }
0x58: {  	_ =	shalt  }
0x59: {  	_ =	shalt  }
0x5a: {  	_ =	shalt  }
0x5b: {  	_ =	shalt  }
0x5c: {  	_ =	shalt  }
0x5d: {  	_ =	shalt  }
0x5e: {  	_ =	shalt  }
0x5f: {  	_ =	shalt  }
0x60: {  	_ =	shalt  }
0x61: {  	_ =	shalt  }
0x62: {  	_ =	shalt  }
0x63: {  	_ =	shalt  }
0x64: {  	_ =	shalt  }
0x65: {  	_ =	shalt  }
0x66: {  	_ =	shalt  }
0x67: {  	_ =	shalt  }
0x68: {  	_ =	shalt  }
0x69: {  	_ =	shalt  }
0x6a: {  	_ =	shalt  }
0x6b: {  	_ =	shalt  }
0x6c: {  	_ =	shalt  }
0x6d: {  	_ =	shalt  }
0x6e: {  	_ =	shalt  }
0x6f: {  	_ =	shalt  }
0x70: {  	_ =	shalt  }
0x71: {  	_ =	shalt  }
0x72: {  	_ =	shalt  }
0x73: {  	_ =	shalt  }
0x74: {  	_ =	shalt  }
0x75: {  	_ =	shalt  }
0x76: {  	_ =	shalt  }
0x77: {  	_ =	shalt  }
0x78: {  	_ =	shalt  }
0x79: {  	_ =	shalt  }
0x7a: {  	_ =	shalt  }
0x7b: {  	_ =	shalt  }
0x7c: {  	_ =	shalt  }
0x7d: {  	_ =	shalt  }
0x7e: {  	_ =	shalt  }
0x7f: {  	_ =	shalt  }
0x80: {  	_ =	shalt  }
0x81: {  	_ =	shalt  }
0x82: {  	_ =	shalt  }
0x83: {  	_ =	shalt  }
0x84: {  	_ =	shalt  }
0x85: {  	_ =	shalt  }
0x86: {  	_ =	shalt  }
0x87: {  	_ =	shalt  }
.Lfunc_end0:
.L_simem_size_0:
called_computation_lowered:
.L_overlay_start_0:
0x88: {  	s2 =	sld [smem:$0x3FD9]  }
0x89: {  	s3 =	sld [smem:$0x3FFE];
	_ =	sdelay $0x1  }
0x8a: {  	s1 =	srdreg.scid  }
0x8b: {  	s0 =	sand.u32 $0x1, s1  }
0x8c: {  	s17 =	sshll.u32 s0, $0xA;
	s2 =	sadd.s32 s3, s2  }
0x8d: {  	s2 =	sadd.s32 s2, s17  }
0x8e: {  	[smem:$0x3FC6] =	sst s2  }
0x8f: {  	_ = 	snop  }
0x90: {  	s2 =	sld [smem:$0x3FD0];
	(tm) =	ssettm $0x1  }
0x91: {  	s18 =	sld [smem:$0x3FFB];
	_ =	sdelay $0x3  }
0x92: {  	_ =	strace s18  }
0x93: {  	s3 =	sld [smem:$0x3FFC];
	_ =	sdelay $0x3  }
0x94: {  	_ =	strace s3  }
0x95: {  	s3 =	sld [smem:$0x3FFD];
	_ =	sdelay $0x3  }
0x96: {  	_ =	strace s3  }
0x97: {  	_ =	strace $0x8FFFFFFF  }
0x98: {  	s19 =	sld [smem:$0x3FDB];
	_ =	sdelay $0x1  }
0x99: {  	s4 =	simm.s32 $_scs_section_size  }
0x9a: {  	s5 =	simm.s32 $_size__tile_overlayer_lowered;
	s6 =	simm.s32 $_tile_overlayer_lowered  }
0x9b: {  	s22 =	simm.s32 $0x1BFF;
	s21 =	sshll.u32 s6, $0x1;
	s3 =	sadd.s32 s4, s19  }
0x9c: {  	s7 =	simm.s32 $0x0;
	s20 =	sshll.u32 s5, $0x1;
	s5 =	sadd.s32 s21, s3  }
0x9d: {  	[timem:s7], [sflag:s22] =	dma.local [hbm:s5], s20  }
0x9e: {  	_ =	swait.ge [sflag:s22], s20  }
0x9f: {  	s4 =	ssub.s32 $0x0, s20;
	[sflag:s22] =	ssyncset.done $0x0  }
0xa0: {  	[sflag:s22] =	ssyncadd.s32 s4;
	_ =	sdelay $0x1  }
0xa1: {  	s23 =	simm.s32 $0x1B8B  }
0xa2: {  	_ =	swait.ge [sflag:s23], $0x1  }
0xa3: {  	[sflag:s23] =	ssyncset.done $0x0  }
0xa4: {  	s25 =	simm.s32 $0x1B8E;
	s24 =	sld [smem:$0x3FFE];
	[sflag:s23] =	ssyncadd.s32 $0xFFFFFFFF  }
0xa5: {  	s26 =	simm.s32 $execute0_lowered;
	[smem:$0x3FD2] =	sst s25  }
0xa6: {  	s5 =	sshll.u32 s26, $0x1;
	_ =	strace $0x80000046;
	[dreg:$0x1] =	wrdreg $0xFFFFFFFF  }
0xa7: {  	s28 =	simm.s32 $_size_execute0_lowered;
	s3 =	sadd.s32 s3, s5;
	[dreg:$0x0] =	wrdreg $0x0  }
0xa8: {  	s5 =	sshll.u32 s28, $0x1;
	[dreg:$0x2] =	wrdreg s3  }
0xa9: {  	[dreg:$0x3] =	wrdreg s5  }
0xaa: {  	[dreg:$0x4] =	wrdreg $0xC0  }
0xab: {  	_ =	task [dreg:s7], $0x5FFFF  }
0xac: {  	[dreg:$0x1] =	wrdreg $0xFFFFFFFF  }
0xad: {  	[dreg:$0x0] =	wrdreg $0x60  }
0xae: {  	[dreg:$0x2] =	wrdreg s24  }
0xaf: {  	[dreg:$0x3] =	wrdreg s2  }
0xb0: {  	[dreg:$0x4] =	wrdreg $0x9  }
0xb1: {  	_ =	task.clear_ibuf [dreg:s7], $0x5FFFF;
	_ =	strace $0x90000046  }
0xb2: {  	s29 =	simm.s32 $0x9;
	_ =	strace $0x80000048  }
0xb3: {  	_ =	swait.ge [sflag:s29], $0x1  }
0xb4: {  	[sflag:s29] =	ssyncadd.s32 $0xFFFFFFFF  }
0xb5: {  	_ =	strace $0x90000048  }
0xb6: {  	_ =	sfence  }
0xb7: {  	s30 =	sld [smem:$0x0];
	_ =	sdelay $0x2  }
0xb8: {  	s31 =	sshll.u32 s1, $0xD;
	s1 =	sshrl.u32 s1, $0x2  }
0xb9: {  	s3 =	sand.u32 $0x4000, s31;
	s1 =	sadd.s32 s1, s30  }
0xba: {  	s0 =	sor.u32 s3, s0;
	s1 =	sshll.u32 s1, $0x11  }
0xbb: {  	s0 =	sor.u32 s1, s0  }
0xbc: {  	s0 =	sadd.s32 $0x8F2B, s0  }
0xbd: {  	[sflag:s0] =	ssyncadd.remote.s32 $0x1  }
0xbe: {  	_ =	sfence.sel $0xFFFF  }
0xbf: {  	[dreg:$0x0] =	wrdreg $0xFFFFFFFF;
	(pc) =	sbr.abs _section_cstart, $3  }
0xc0: {  	[dreg:$0x1] =	wrdreg $0xFFFFFFFF  }
0xc1: {  	_ =	task.clear_ibuf [dreg:s7], $0x2FFFF;
	_ =	strace $0x9FFFFFFF  }
0xc2: {  	(tm) =	ssettm $0x7FFFFFFF  }
0xc3: {  	_ =	shalt  }
tec
execute0_lowered:
.L_overlay_start_1:
0x0: {  	(tag) =	ssettag $0x1  }
0x1: {  	s4 =	rddreg [dreg:$0x0]  }
0x2: {  	s1 =	rddreg [dreg:$0x1]  }
0x3: {  	s2 =	srdreg.scid;
	s0 =	rddreg [dreg:$0x2]  }
0x4: {  	s3 =	simm.s32 $0x0;
	s9 =	simm.s32 $0x10000;
	s5 =	sand.u32 $0x1, s2  }
0x5: {  	s2 =	stileid.u32;
	[smem:$0x7FF] =	sst s3;
	s6 =	sshll.u32 s5, $0x4  }
0x6: {  	s10 =	simm.s32 $0x0;
	_ =	strace $0x80000047;
	s6 =	sor.u32 s2, s6  }
0x7: {  	s5 =	ssub.s32 $0x2, s5;
	s7 =	sshll.u32 s6, $0xD;
	s6 =	sshll.u32 s6, $0x5  }
0x8: {  	s8 =	sshrl.u32 s5, $0x1;
	s7 =	sadd.s32 s7, s4;
	s6 =	sadd.s32 s6, s4  }
0x9: {  	s8 =	ssub.s32 s5, s8;
	s4 =	sadd.s32 $0x600, s7;
	s5 =	sadd.s32 $0x40600, s6  }
0xa: {  	v0 =	vimm.s32 $0x0;
	v1 =	vimm.s32 $0x1;
	s6 =	smax.u32 s8, $0x1;
	s7 =	simm.s32 $0x1;
	s8 =	simm.s32 $0x10100  }
.LBB2_1:
0xb: {  	[tilespmem:s3], [sflag:$0x1] =	stream.linear.gather [hbm4b:s4+s3], $0x10000, $0x38;
	[tilespmem:$0x10180] =	vst v63  }
0xc: {  	_ =	swait.ge [sflag:s7], $0x10000  }
0xd: {  	[sflag:s7] =	ssyncset.done $0x0  }
0xe: {  	[sflag:s7] =	ssyncadd.s32 $0xFFFF0000  }
0xf: {  	[tilespmem:s8], [sflag:$0x1] =	stream.linear.gather [hbm4b:s1+s3], $0x80, $0x38;
	[tilespmem:$0x10180] =	vst v63  }
0x10: {  	_ =	swait.ge [sflag:s7], $0x80  }
0x11: {  	[sflag:s7] =	ssyncset.done $0x0  }
0x12: {  	[sflag:s7] =	ssyncadd.s32 $0xFFFFFF80  }
0x13: {  	[tilespmem:$0x10000] =	vst v0  }
0x14: {  	[tilespmem:$0x10010] =	vst v0  }
0x15: {  	[tilespmem:$0x10020] =	vst v0  }
0x16: {  	[tilespmem:$0x10030] =	vst v0  }
0x17: {  	[tilespmem:$0x10040] =	vst v0  }
0x18: {  	[tilespmem:$0x10050] =	vst v0  }
0x19: {  	[tilespmem:$0x10060] =	vst v0  }
0x1a: {  	[tilespmem:$0x10070] =	vst v0  }
0x1b: {  	[tilespmem:$0x10080] =	vst v0  }
0x1c: {  	[tilespmem:$0x10090] =	vst v0  }
0x1d: {  	[tilespmem:$0x100A0] =	vst v0  }
0x1e: {  	[tilespmem:$0x100B0] =	vst v0  }
0x1f: {  	[tilespmem:$0x100C0] =	vst v0  }
0x20: {  	[tilespmem:$0x100D0] =	vst v0  }
0x21: {  	[tilespmem:$0x100E0] =	vst v0  }
0x22: {  	s12 =	simm.s32 $0x0;
	s11 =	simm.s32 $0x40;
	[tilespmem:$0x100F0] =	vst v0  }
.LBB2_2:
0x23: {  	p0 =	sne.s32 s11, $0x3FFC0;
	v2 =	vld [tilespmem:s12+$0x0];
	_ =	sdelay $0x4  }
0x24: {  	v2 =	vshrl.u32 v2, $0x18  }
.Ltmp0:
0x25: {  	(pc) =	sbr.rel @p0 .LBB2_2-.Ltmp0, $2  }
0x26: {  	_ =	sdelay $0x2  }
0x27: {  	s12 =	sshra.s32 s11, $0x2;
	s11 =	sadd.s32 $0x40, s11;
	[tilespmem:v2+s9+$0x0] =	vst.idx.add.s32.msk $0xffff, v1  }
0x28: {  	v2 =	vld [tilespmem:s12+$0x0];
	_ =	sdelay $0x4  }
0x29: {  	v2 =	vshrl.u32 v2, $0x18;
	_ =	sdelay $0x2  }
0x2a: {  	s10 =	sadd.s32 $0x1, s10  }
0x2b: {  	p0 =	sne.s32 s10, s6  }
.Ltmp1:
0x2c: {  	[tilespmem:v2+s9+$0x0] =	vst.idx.add.s32.msk $0xffff, v1;
	(pc) =	sbr.rel @p0 .LBB2_1-.Ltmp1, $4  }
0x2d: {  	[hbm4b:s5+s3] =	stream.linear.scatter [tilespmem:s9], [sflag:$0x1], $0x100, $0x38;
	[tilespmem:$0x10180] =	vst v63  }
0x2e: {  	_ =	swait.ge [sflag:s7], $0x100  }
0x2f: {  	[sflag:s7] =	ssyncset.done $0x0  }
0x30: {  	[sflag:s7] =	ssyncadd.s32 $0xFFFFFF00  }
0x31: {  	_ =	sfence.sel $0x180000  }
0x32: {  	[bflag:$0x0] =	sbarrier.arrive $0xFFFF  }
0x33: {  	p0 =	sne.s32 s2, $0x0;
	_ =	strace $0x90000047  }
0x34: {  	s0 =	sadd.s32 @!p0 $0x100000, s0;
	[bflag:$0x2] =	sbarrier.arrive $0xFFFF  }
0x35: {  	[sflag:s0] =	ssyncadd.tile.s32 @!p0 $0x1;
	_ =	shalt  }
.Lfunc_end2:
_tile_overlayer_lowered:
.L_overlay_start_2:
0x36: {  	(tag) =	ssettag $0x2  }
0x37: {  	s0 =	rddreg [dreg:$0x0];
	s2 =	stileid.u32  }
0x38: {  	s1 =	rddreg [dreg:$0x1];
	p0 =	sne.s32 s2, $0x0  }
0x39: {  	s3 =	rddreg [dreg:$0x2];
	[bflag:$0x3] =	sbarrier.arrive $0xFFFF;
	s2 =	simm.s32 @!p0 $0x1C01  }
0x3a: {  	[timem:s3], [sflag:s2] =	dma.local @!p0 [hbm:s0], s1  }
0x3b: {  	s0 =	simm.s32 @!p0 $0x1  }
0x3c: {  	_ =	swait.ge @!p0 [sflag:s0], s1  }
0x3d: {  	s1 =	ssub.s32 @!p0 $0x0, s1;
	[sflag:s0] =	ssyncset.done @!p0 $0x0  }
0x3e: {  	[sflag:s0] =	ssyncadd.s32 @!p0 s1  }
0x3f: {  	[bflag:$0x3] =	sbarrier.arrive $0xFFFF  }
0x40: {  	_ =	shalt  }

// kernel: branch_0_fun.20.cloned.1.call-start
scs
__scs_entry_jumppad:
0x0: {  	(pc) =	sbr.rel $0x88, $3  }
0x1: {  	(tag) =	ssettag $0x0;
	lr =	simm.s32 $0x1  }
0x2: {  	[smem:$0x3F9F] =	sst lr;
	_ =	strace $0xD0000000  }
0x3: {  	_ = 	snop  }
0x4: {  	_ = 	snop  }
0x5: {  	_ = 	snop  }
0x6: {  	_ = 	snop  }
0x7: {  	_ = 	snop  }
__scs_overlays_trampoline_lowered:
0x8: {  	[smem:$0x3FAE] =	sst s0  }
0x9: {  	[smem:$0x3FAF] =	sst s1  }
0xa: {  	[smem:$0x3FB0] =	sst s2  }
0xb: {  	[smem:$0x3FB1] =	sst s3  }
0xc: {  	[smem:$0x3FB2] =	sst s4  }
0xd: {  	[smem:$0x3FB3] =	sst s5  }
0xe: {  	[smem:$0x3FB4] =	sst s6  }
0xf: {  	[smem:$0x3FB5] =	sst s7  }
0x10: {  	[smem:$0x3FB6] =	sst s8  }
0x11: {  	[smem:$0x3FB7] =	sst s9;
	s0 =	simm.s32 @!p0 $0x0  }
0x12: {  	s1 =	sld [smem:$0x3F9D];
	s0 =	simm.s32 @p0 $0x1  }
0x13: {  	[smem:$0x3FB8] =	sst s0;
	s0 =	simm.s32 @!p1 $0x0  }
0x14: {  	s2 =	sld [smem:$0x3F9C];
	s0 =	simm.s32 @p1 $0x1  }
0x15: {  	[smem:$0x3FB9] =	sst s0;
	s0 =	simm.s32 @!p2 $0x0  }
0x16: {  	s3 =	sld [smem:$0x3FDB];
	s0 =	simm.s32 @p2 $0x1  }
0x17: {  	s4 =	simm.s32 $0x1BF5;
	[smem:$0x3FBB] =	sst s0  }
0x18: {  	s0 =	sld [smem:$0x3F9E];
	_ =	swait.ge [sflag:s4], $0x0  }
0x19: {  	s7 =	sld [smem:$0x3F9F]  }
0x1a: {  	s8 =	sadd.s32 $0xFFFFE003, lr  }
0x1b: {  	s9 =	sadd.s32 $0xFFFFFEF7, lr;
	s5 =	simm.s32 $0xFFFFFFFF;
	p2 =	slt.u32 s8, $0xFFFFF086  }
0x1c: {  	p1 =	slt.u32 s9, $0xF7A;
	s5 =	simm.s32 @!p2 $0x0  }
0x1d: {  	s5 =	simm.s32 @p1 $0x1;
	p0 =	seq.s32 s7, s2  }
0x1e: {  	s7 =	smul.u32 @!p0 $0xF7A, s2;
	p2 =	seq.s32 @!p0 s5, $0x0  }
0x1f: {  	s9 =	smul.u32 $0xF7A, s1;
	s8 =	simm.s32 @!p0 $0x1BF5;
	p2 =	por !p2, p0  }
0x20: {  	[sflag:s8] =	ssyncset.s32 @!p0 $0xFFFFF086;
	s6 =	sadd.s32 @!p0 s3, s7;
	s7 =	simm.s32 @!p0 $0x108  }
0x21: {  	s3 =	sadd.s32 s3, s9;
	s6 =	sadd.s32 @!p0 $0x88, s6;
	s7 =	simm.s32 @p2 $0x1082  }
0x22: {  	[simem:s7], [sflag:s8] =	dma.local @!p0 [hbm:s6], $0xF7A  }
0x23: {  	s9 =	sor.u32 $0xD0000000, s2;
	s6 =	simm.s32 $0x108;
	_ =	swait.ge @!p0 [sflag:s8], $0x0  }
0x24: {  	s3 =	sadd.s32 $0x88, s3;
	s6 =	simm.s32 @!p1 $0x1082;
	[sflag:s4] =	ssyncset.s32 $0xFFFFF086  }
0x25: {  	[simem:s6], [sflag:s4] =	dma.local [hbm:s3], $0xF7A  }
0x26: {  	[smem:$0x3F9F] =	sst s1;
	(tag) =	ssettag s2;
	_ =	strace s9  }
0x27: {  	s1 =	sld [smem:$0x3FAF]  }
0x28: {  	s2 =	sld [smem:$0x3FB0]  }
0x29: {  	s4 =	sld [smem:$0x3FB2]  }
0x2a: {  	p0 =	seq.s32 s5, $0x0;
	s5 =	sld [smem:$0x3FB3]  }
0x2b: {  	s6 =	sld [smem:$0x3FB4]  }
0x2c: {  	s7 =	sld [smem:$0x3FB5]  }
0x2d: {  	s3 =	simm.s32 $0x108;
	s8 =	sld [smem:$0x3FB6]  }
0x2e: {  	s3 =	simm.s32 @!p0 $0x1082;
	s9 =	sld [smem:$0x3FB7]  }
0x2f: {  	lr =	sadd.s32 s0, s3;
	s0 =	sld [smem:$0x3FAE]  }
0x30: {  	s3 =	sld [smem:$0x3FB1]  }
0x31: {  	[smem:$0x3FBA] =	sst s10  }
0x32: {  	s10 =	sld [smem:$0x3FB8];
	_ =	sdelay $0x3  }
0x33: {  	p0 =	seq.s32 s10, $0x1;
	s10 =	sld [smem:$0x3FBA];
	_ =	sdelay $0x3  }
0x34: {  	[smem:$0x3FBA] =	sst s10  }
0x35: {  	s10 =	sld [smem:$0x3FB9];
	_ =	sdelay $0x3  }
0x36: {  	p1 =	seq.s32 s10, $0x1;
	s10 =	sld [smem:$0x3FBA];
	_ =	sdelay $0x3  }
0x37: {  	[smem:$0x3FBA] =	sst s10  }
0x38: {  	s10 =	sld [smem:$0x3FBB]  }
0x39: {  	_ = 	snop;
	(pc) =	sbr.ind lr, $3  }
0x3a: {  	_ = 	snop  }
0x3b: {  	_ = 	snop  }
0x3c: {  	p2 =	seq.s32 s10, $0x1;
	s10 =	sld [smem:$0x3FBA]  }
0x3d: {  	_ =	shalt  }
0x3e: {  	_ =	shalt  }
0x3f: {  	_ =	shalt  }
0x40: {  	_ =	shalt  }
0x41: {  	_ =	shalt  }
0x42: {  	_ =	shalt  }
0x43: {  	_ =	shalt  }
0x44: {  	_ =	shalt  }
0x45: {  	_ =	shalt  }
0x46: {  	_ =	shalt  }
0x47: {  	_ =	shalt  }
0x48: {  	_ =	shalt  }
0x49: {  	_ =	shalt  }
0x4a: {  	_ =	shalt  }
0x4b: {  	_ =	shalt  }
0x4c: {  	_ =	shalt  }
0x4d: {  	_ =	shalt  }
0x4e: {  	_ =	shalt  }
0x4f: {  	_ =	shalt  }
0x50: {  	_ =	shalt  }
0x51: {  	_ =	shalt  }
0x52: {  	_ =	shalt  }
0x53: {  	_ =	shalt  }
0x54: {  	_ =	shalt  }
0x55: {  	_ =	shalt  }
0x56: {  	_ =	shalt  }
0x57: {  	_ =	shalt  }
0x58: {  	_ =	shalt  }
0x59: {  	_ =	shalt  }
0x5a: {  	_ =	shalt  }
0x5b: {  	_ =	shalt  }
0x5c: {  	_ =	shalt  }
0x5d: {  	_ =	shalt  }
0x5e: {  	_ =	shalt  }
0x5f: {  	_ =	shalt  }
0x60: {  	_ =	shalt  }
0x61: {  	_ =	shalt  }
0x62: {  	_ =	shalt  }
0x63: {  	_ =	shalt  }
0x64: {  	_ =	shalt  }
0x65: {  	_ =	shalt  }
0x66: {  	_ =	shalt  }
0x67: {  	_ =	shalt  }
0x68: {  	_ =	shalt  }
0x69: {  	_ =	shalt  }
0x6a: {  	_ =	shalt  }
0x6b: {  	_ =	shalt  }
0x6c: {  	_ =	shalt  }
0x6d: {  	_ =	shalt  }
0x6e: {  	_ =	shalt  }
0x6f: {  	_ =	shalt  }
0x70: {  	_ =	shalt  }
0x71: {  	_ =	shalt  }
0x72: {  	_ =	shalt  }
0x73: {  	_ =	shalt  }
0x74: {  	_ =	shalt  }
0x75: {  	_ =	shalt  }
0x76: {  	_ =	shalt  }
0x77: {  	_ =	shalt  }
0x78: {  	_ =	shalt  }
0x79: {  	_ =	shalt  }
0x7a: {  	_ =	shalt  }
0x7b: {  	_ =	shalt  }
0x7c: {  	_ =	shalt  }
0x7d: {  	_ =	shalt  }
0x7e: {  	_ =	shalt  }
0x7f: {  	_ =	shalt  }
0x80: {  	_ =	shalt  }
0x81: {  	_ =	shalt  }
0x82: {  	_ =	shalt  }
0x83: {  	_ =	shalt  }
0x84: {  	_ =	shalt  }
0x85: {  	_ =	shalt  }
0x86: {  	_ =	shalt  }
0x87: {  	_ =	shalt  }
.Lfunc_end0:
.L_simem_size_0:
called_computation.1_lowered:
.L_overlay_start_0:
0x88: {  	s2 =	sld [smem:$0x3FD9]  }
0x89: {  	s3 =	sld [smem:$0x3FFE];
	_ =	sdelay $0x1  }
0x8a: {  	s1 =	srdreg.scid  }
0x8b: {  	s0 =	sand.u32 $0x1, s1  }
0x8c: {  	s17 =	sshll.u32 s0, $0xA;
	s2 =	sadd.s32 s3, s2  }
0x8d: {  	s2 =	sadd.s32 s2, s17  }
0x8e: {  	[smem:$0x3FC6] =	sst s2  }
0x8f: {  	_ = 	snop  }
0x90: {  	s2 =	sld [smem:$0x3FD0];
	(tm) =	ssettm $0x1  }
0x91: {  	s18 =	sld [smem:$0x3FFB];
	_ =	sdelay $0x3  }
0x92: {  	_ =	strace s18  }
0x93: {  	s3 =	sld [smem:$0x3FFC];
	_ =	sdelay $0x3  }
0x94: {  	_ =	strace s3  }
0x95: {  	s3 =	sld [smem:$0x3FFD];
	_ =	sdelay $0x3  }
0x96: {  	_ =	strace s3  }
0x97: {  	_ =	strace $0x8FFFFFFF  }
0x98: {  	s19 =	sld [smem:$0x3FDB];
	_ =	sdelay $0x1  }
0x99: {  	s4 =	simm.s32 $_scs_section_size  }
0x9a: {  	s5 =	simm.s32 $_size__tile_overlayer_lowered;
	s6 =	simm.s32 $_tile_overlayer_lowered  }
0x9b: {  	s22 =	simm.s32 $0x1BFF;
	s21 =	sshll.u32 s6, $0x1;
	s3 =	sadd.s32 s4, s19  }
0x9c: {  	s7 =	simm.s32 $0x0;
	s20 =	sshll.u32 s5, $0x1;
	s5 =	sadd.s32 s21, s3  }
0x9d: {  	[timem:s7], [sflag:s22] =	dma.local [hbm:s5], s20  }
0x9e: {  	_ =	swait.ge [sflag:s22], s20  }
0x9f: {  	s4 =	ssub.s32 $0x0, s20;
	[sflag:s22] =	ssyncset.done $0x0  }
0xa0: {  	[sflag:s22] =	ssyncadd.s32 s4;
	_ =	sdelay $0x1  }
0xa1: {  	s23 =	simm.s32 $0x1B8B  }
0xa2: {  	_ =	swait.ge [sflag:s23], $0x1  }
0xa3: {  	[sflag:s23] =	ssyncset.done $0x0  }
0xa4: {  	s25 =	simm.s32 $0x1B8E;
	s24 =	sld [smem:$0x3FFE];
	[sflag:s23] =	ssyncadd.s32 $0xFFFFFFFF  }
0xa5: {  	s26 =	simm.s32 $execute0_lowered;
	[smem:$0x3FD2] =	sst s25  }
0xa6: {  	s5 =	sshll.u32 s26, $0x1;
	_ =	strace $0x80000049;
	[dreg:$0x1] =	wrdreg $0xFFFFFFFF  }
0xa7: {  	s28 =	simm.s32 $_size_execute0_lowered;
	s3 =	sadd.s32 s3, s5;
	[dreg:$0x0] =	wrdreg $0x0  }
0xa8: {  	s5 =	sshll.u32 s28, $0x1;
	[dreg:$0x2] =	wrdreg s3  }
0xa9: {  	[dreg:$0x3] =	wrdreg s5  }
0xaa: {  	[dreg:$0x4] =	wrdreg $0xC0  }
0xab: {  	_ =	task [dreg:s7], $0x5FFFF  }
0xac: {  	[dreg:$0x1] =	wrdreg $0xFFFFFFFF  }
0xad: {  	[dreg:$0x0] =	wrdreg $0x60  }
0xae: {  	[dreg:$0x2] =	wrdreg s24  }
0xaf: {  	[dreg:$0x3] =	wrdreg s2  }
0xb0: {  	[dreg:$0x4] =	wrdreg $0x9  }
0xb1: {  	_ =	task.clear_ibuf [dreg:s7], $0x5FFFF;
	_ =	strace $0x90000049  }
0xb2: {  	s29 =	simm.s32 $0x9;
	_ =	strace $0x8000004B  }
0xb3: {  	_ =	swait.ge [sflag:s29], $0x1  }
0xb4: {  	[sflag:s29] =	ssyncadd.s32 $0xFFFFFFFF  }
0xb5: {  	_ =	strace $0x9000004B  }
0xb6: {  	_ =	sfence  }
0xb7: {  	s30 =	sld [smem:$0x0];
	_ =	sdelay $0x2  }
0xb8: {  	s31 =	sshll.u32 s1, $0xD;
	s1 =	sshrl.u32 s1, $0x2  }
0xb9: {  	s3 =	sand.u32 $0x4000, s31;
	s1 =	sadd.s32 s1, s30  }
0xba: {  	s0 =	sor.u32 s3, s0;
	s1 =	sshll.u32 s1, $0x11  }
0xbb: {  	s0 =	sor.u32 s1, s0  }
0xbc: {  	s0 =	sadd.s32 $0x8F2B, s0  }
0xbd: {  	[sflag:s0] =	ssyncadd.remote.s32 $0x1  }
0xbe: {  	_ =	sfence.sel $0xFFFF  }
0xbf: {  	[dreg:$0x0] =	wrdreg $0xFFFFFFFF;
	(pc) =	sbr.abs _section_cstart, $3  }
0xc0: {  	[dreg:$0x1] =	wrdreg $0xFFFFFFFF  }
0xc1: {  	_ =	task.clear_ibuf [dreg:s7], $0x2FFFF;
	_ =	strace $0x9FFFFFFF  }
0xc2: {  	(tm) =	ssettm $0x7FFFFFFF  }
0xc3: {  	_ =	shalt  }
tec
execute0_lowered:
.L_overlay_start_1:
0x0: {  	(tag) =	ssettag $0x1  }
0x1: {  	s4 =	rddreg [dreg:$0x0]  }
0x2: {  	s1 =	rddreg [dreg:$0x1]  }
0x3: {  	s2 =	srdreg.scid;
	s0 =	rddreg [dreg:$0x2]  }
0x4: {  	s3 =	simm.s32 $0x0;
	s9 =	simm.s32 $0x10000;
	s5 =	sand.u32 $0x1, s2  }
0x5: {  	s2 =	stileid.u32;
	[smem:$0x7FF] =	sst s3;
	s6 =	sshll.u32 s5, $0x4  }
0x6: {  	s10 =	simm.s32 $0x0;
	_ =	strace $0x8000004A;
	s6 =	sor.u32 s2, s6  }
0x7: {  	s5 =	ssub.s32 $0x2, s5;
	s7 =	sshll.u32 s6, $0xD;
	s6 =	sshll.u32 s6, $0x5  }
0x8: {  	s8 =	sshrl.u32 s5, $0x1;
	s7 =	sadd.s32 s7, s4;
	s6 =	sadd.s32 s6, s4  }
0x9: {  	s8 =	ssub.s32 s5, s8;
	s4 =	sadd.s32 $0x600, s7;
	s5 =	sadd.s32 $0x40800, s6  }
0xa: {  	v0 =	vimm.s32 $0x0;
	v1 =	vimm.s32 $0x1;
	s6 =	smax.u32 s8, $0x1;
	s7 =	simm.s32 $0x1;
	s8 =	simm.s32 $0x10100  }
.LBB2_1:
0xb: {  	[tilespmem:s3], [sflag:$0x1] =	stream.linear.gather [hbm4b:s4+s3], $0x10000, $0x38;
	[tilespmem:$0x10180] =	vst v63  }
0xc: {  	_ =	swait.ge [sflag:s7], $0x10000  }
0xd: {  	[sflag:s7] =	ssyncset.done $0x0  }
0xe: {  	[sflag:s7] =	ssyncadd.s32 $0xFFFF0000  }
0xf: {  	[tilespmem:s8], [sflag:$0x1] =	stream.linear.gather [hbm4b:s1+s3], $0x80, $0x38;
	[tilespmem:$0x10180] =	vst v63  }
0x10: {  	_ =	swait.ge [sflag:s7], $0x80  }
0x11: {  	[sflag:s7] =	ssyncset.done $0x0  }
0x12: {  	[sflag:s7] =	ssyncadd.s32 $0xFFFFFF80  }
0x13: {  	[tilespmem:$0x10000] =	vst v0  }
0x14: {  	[tilespmem:$0x10010] =	vst v0  }
0x15: {  	[tilespmem:$0x10020] =	vst v0  }
0x16: {  	[tilespmem:$0x10030] =	vst v0  }
0x17: {  	[tilespmem:$0x10040] =	vst v0  }
0x18: {  	[tilespmem:$0x10050] =	vst v0  }
0x19: {  	[tilespmem:$0x10060] =	vst v0  }
0x1a: {  	[tilespmem:$0x10070] =	vst v0  }
0x1b: {  	[tilespmem:$0x10080] =	vst v0  }
0x1c: {  	[tilespmem:$0x10090] =	vst v0  }
0x1d: {  	[tilespmem:$0x100A0] =	vst v0  }
0x1e: {  	[tilespmem:$0x100B0] =	vst v0  }
0x1f: {  	[tilespmem:$0x100C0] =	vst v0  }
0x20: {  	[tilespmem:$0x100D0] =	vst v0  }
0x21: {  	[tilespmem:$0x100E0] =	vst v0  }
0x22: {  	s12 =	simm.s32 $0x0;
	s11 =	simm.s32 $0x40;
	[tilespmem:$0x100F0] =	vst v0;
	v2 =	vld [tilespmem:$0x10100]  }
.LBB2_2:
0x23: {  	p0 =	sne.s32 s11, $0x3FFC0;
	v3 =	vld [tilespmem:s12+$0x0];
	_ =	sdelay $0x4  }
0x24: {  	v4 =	vshrl.u32 v3, $0x18  }
0x25: {  	v3 =	vshrl.u32 v3, $0x10;
	vm0 =	veq.s32 v4, v2  }
0x26: {  	v3 =	vand.u32 $0xFF, v3  }
.Ltmp0:
0x27: {  	(pc) =	sbr.rel @p0 .LBB2_2-.Ltmp0, $2  }
0x28: {  	_ =	sdelay $0x2  }
0x29: {  	s12 =	sshra.s32 s11, $0x2;
	s11 =	sadd.s32 $0x40, s11;
	[tilespmem:v3+s9+$0x0] =	vst.idx.add.s32.msk vm0, v1  }
0x2a: {  	v3 =	vld [tilespmem:s12+$0x0];
	_ =	sdelay $0x4  }
0x2b: {  	v4 =	vshrl.u32 v3, $0x18  }
0x2c: {  	v3 =	vshrl.u32 v3, $0x10;
	vm0 =	veq.s32 v4, v2  }
0x2d: {  	v2 =	vand.u32 $0xFF, v3;
	_ =	sdelay $0x2  }
0x2e: {  	s10 =	sadd.s32 $0x1, s10  }
0x2f: {  	p0 =	sne.s32 s10, s6  }
.Ltmp1:
0x30: {  	[tilespmem:v2+s9+$0x0] =	vst.idx.add.s32.msk vm0, v1;
	(pc) =	sbr.rel @p0 .LBB2_1-.Ltmp1, $4  }
0x31: {  	[hbm4b:s5+s3] =	stream.linear.scatter [tilespmem:s9], [sflag:$0x1], $0x100, $0x38;
	[tilespmem:$0x10180] =	vst v63  }
0x32: {  	_ =	swait.ge [sflag:s7], $0x100  }
0x33: {  	[sflag:s7] =	ssyncset.done $0x0  }
0x34: {  	[sflag:s7] =	ssyncadd.s32 $0xFFFFFF00  }
0x35: {  	_ =	sfence.sel $0x180000  }
0x36: {  	[bflag:$0x0] =	sbarrier.arrive $0xFFFF  }
0x37: {  	p0 =	sne.s32 s2, $0x0;
	_ =	strace $0x9000004A  }
0x38: {  	s0 =	sadd.s32 @!p0 $0x100000, s0;
	[bflag:$0x2] =	sbarrier.arrive $0xFFFF  }
0x39: {  	[sflag:s0] =	ssyncadd.tile.s32 @!p0 $0x1;
	_ =	shalt  }
.Lfunc_end2:
_tile_overlayer_lowered:
.L_overlay_start_2:
0x3a: {  	(tag) =	ssettag $0x2  }
0x3b: {  	s0 =	rddreg [dreg:$0x0];
	s2 =	stileid.u32  }
0x3c: {  	s1 =	rddreg [dreg:$0x1];
	p0 =	sne.s32 s2, $0x0  }
0x3d: {  	s3 =	rddreg [dreg:$0x2];
	[bflag:$0x3] =	sbarrier.arrive $0xFFFF;
	s2 =	simm.s32 @!p0 $0x1C01  }
0x3e: {  	[timem:s3], [sflag:s2] =	dma.local @!p0 [hbm:s0], s1  }
0x3f: {  	s0 =	simm.s32 @!p0 $0x1  }
0x40: {  	_ =	swait.ge @!p0 [sflag:s0], s1  }
0x41: {  	s1 =	ssub.s32 @!p0 $0x0, s1;
	[sflag:s0] =	ssyncset.done @!p0 $0x0  }
0x42: {  	[sflag:s0] =	ssyncadd.s32 @!p0 s1  }
0x43: {  	[bflag:$0x3] =	sbarrier.arrive $0xFFFF  }
0x44: {  	_ =	shalt  }

// kernel: branch_0_fun.23.cloned.1.call-start
scs
__scs_entry_jumppad:
0x0: {  	(pc) =	sbr.rel $0x88, $3  }
0x1: {  	(tag) =	ssettag $0x0;
	lr =	simm.s32 $0x1  }
0x2: {  	[smem:$0x3F9F] =	sst lr;
	_ =	strace $0xD0000000  }
0x3: {  	_ = 	snop  }
0x4: {  	_ = 	snop  }
0x5: {  	_ = 	snop  }
0x6: {  	_ = 	snop  }
0x7: {  	_ = 	snop  }
__scs_overlays_trampoline_lowered:
0x8: {  	[smem:$0x3FAE] =	sst s0  }
0x9: {  	[smem:$0x3FAF] =	sst s1  }
0xa: {  	[smem:$0x3FB0] =	sst s2  }
0xb: {  	[smem:$0x3FB1] =	sst s3  }
0xc: {  	[smem:$0x3FB2] =	sst s4  }
0xd: {  	[smem:$0x3FB3] =	sst s5  }
0xe: {  	[smem:$0x3FB4] =	sst s6  }
0xf: {  	[smem:$0x3FB5] =	sst s7  }
0x10: {  	[smem:$0x3FB6] =	sst s8  }
0x11: {  	[smem:$0x3FB7] =	sst s9;
	s0 =	simm.s32 @!p0 $0x0  }
0x12: {  	s1 =	sld [smem:$0x3F9D];
	s0 =	simm.s32 @p0 $0x1  }
0x13: {  	[smem:$0x3FB8] =	sst s0;
	s0 =	simm.s32 @!p1 $0x0  }
0x14: {  	s2 =	sld [smem:$0x3F9C];
	s0 =	simm.s32 @p1 $0x1  }
0x15: {  	[smem:$0x3FB9] =	sst s0;
	s0 =	simm.s32 @!p2 $0x0  }
0x16: {  	s3 =	sld [smem:$0x3FDB];
	s0 =	simm.s32 @p2 $0x1  }
0x17: {  	s4 =	simm.s32 $0x1BF5;
	[smem:$0x3FBB] =	sst s0  }
0x18: {  	s0 =	sld [smem:$0x3F9E];
	_ =	swait.ge [sflag:s4], $0x0  }
0x19: {  	s7 =	sld [smem:$0x3F9F]  }
0x1a: {  	s8 =	sadd.s32 $0xFFFFE003, lr  }
0x1b: {  	s9 =	sadd.s32 $0xFFFFFEF7, lr;
	s5 =	simm.s32 $0xFFFFFFFF;
	p2 =	slt.u32 s8, $0xFFFFF086  }
0x1c: {  	p1 =	slt.u32 s9, $0xF7A;
	s5 =	simm.s32 @!p2 $0x0  }
0x1d: {  	s5 =	simm.s32 @p1 $0x1;
	p0 =	seq.s32 s7, s2  }
0x1e: {  	s7 =	smul.u32 @!p0 $0xF7A, s2;
	p2 =	seq.s32 @!p0 s5, $0x0  }
0x1f: {  	s9 =	smul.u32 $0xF7A, s1;
	s8 =	simm.s32 @!p0 $0x1BF5;
	p2 =	por !p2, p0  }
0x20: {  	[sflag:s8] =	ssyncset.s32 @!p0 $0xFFFFF086;
	s6 =	sadd.s32 @!p0 s3, s7;
	s7 =	simm.s32 @!p0 $0x108  }
0x21: {  	s3 =	sadd.s32 s3, s9;
	s6 =	sadd.s32 @!p0 $0x88, s6;
	s7 =	simm.s32 @p2 $0x1082  }
0x22: {  	[simem:s7], [sflag:s8] =	dma.local @!p0 [hbm:s6], $0xF7A  }
0x23: {  	s9 =	sor.u32 $0xD0000000, s2;
	s6 =	simm.s32 $0x108;
	_ =	swait.ge @!p0 [sflag:s8], $0x0  }
0x24: {  	s3 =	sadd.s32 $0x88, s3;
	s6 =	simm.s32 @!p1 $0x1082;
	[sflag:s4] =	ssyncset.s32 $0xFFFFF086  }
0x25: {  	[simem:s6], [sflag:s4] =	dma.local [hbm:s3], $0xF7A  }
0x26: {  	[smem:$0x3F9F] =	sst s1;
	(tag) =	ssettag s2;
	_ =	strace s9  }
0x27: {  	s1 =	sld [smem:$0x3FAF]  }
0x28: {  	s2 =	sld [smem:$0x3FB0]  }
0x29: {  	s4 =	sld [smem:$0x3FB2]  }
0x2a: {  	p0 =	seq.s32 s5, $0x0;
	s5 =	sld [smem:$0x3FB3]  }
0x2b: {  	s6 =	sld [smem:$0x3FB4]  }
0x2c: {  	s7 =	sld [smem:$0x3FB5]  }
0x2d: {  	s3 =	simm.s32 $0x108;
	s8 =	sld [smem:$0x3FB6]  }
0x2e: {  	s3 =	simm.s32 @!p0 $0x1082;
	s9 =	sld [smem:$0x3FB7]  }
0x2f: {  	lr =	sadd.s32 s0, s3;
	s0 =	sld [smem:$0x3FAE]  }
0x30: {  	s3 =	sld [smem:$0x3FB1]  }
0x31: {  	[smem:$0x3FBA] =	sst s10  }
0x32: {  	s10 =	sld [smem:$0x3FB8];
	_ =	sdelay $0x3  }
0x33: {  	p0 =	seq.s32 s10, $0x1;
	s10 =	sld [smem:$0x3FBA];
	_ =	sdelay $0x3  }
0x34: {  	[smem:$0x3FBA] =	sst s10  }
0x35: {  	s10 =	sld [smem:$0x3FB9];
	_ =	sdelay $0x3  }
0x36: {  	p1 =	seq.s32 s10, $0x1;
	s10 =	sld [smem:$0x3FBA];
	_ =	sdelay $0x3  }
0x37: {  	[smem:$0x3FBA] =	sst s10  }
0x38: {  	s10 =	sld [smem:$0x3FBB]  }
0x39: {  	_ = 	snop;
	(pc) =	sbr.ind lr, $3  }
0x3a: {  	_ = 	snop  }
0x3b: {  	_ = 	snop  }
0x3c: {  	p2 =	seq.s32 s10, $0x1;
	s10 =	sld [smem:$0x3FBA]  }
0x3d: {  	_ =	shalt  }
0x3e: {  	_ =	shalt  }
0x3f: {  	_ =	shalt  }
0x40: {  	_ =	shalt  }
0x41: {  	_ =	shalt  }
0x42: {  	_ =	shalt  }
0x43: {  	_ =	shalt  }
0x44: {  	_ =	shalt  }
0x45: {  	_ =	shalt  }
0x46: {  	_ =	shalt  }
0x47: {  	_ =	shalt  }
0x48: {  	_ =	shalt  }
0x49: {  	_ =	shalt  }
0x4a: {  	_ =	shalt  }
0x4b: {  	_ =	shalt  }
0x4c: {  	_ =	shalt  }
0x4d: {  	_ =	shalt  }
0x4e: {  	_ =	shalt  }
0x4f: {  	_ =	shalt  }
0x50: {  	_ =	shalt  }
0x51: {  	_ =	shalt  }
0x52: {  	_ =	shalt  }
0x53: {  	_ =	shalt  }
0x54: {  	_ =	shalt  }
0x55: {  	_ =	shalt  }
0x56: {  	_ =	shalt  }
0x57: {  	_ =	shalt  }
0x58: {  	_ =	shalt  }
0x59: {  	_ =	shalt  }
0x5a: {  	_ =	shalt  }
0x5b: {  	_ =	shalt  }
0x5c: {  	_ =	shalt  }
0x5d: {  	_ =	shalt  }
0x5e: {  	_ =	shalt  }
0x5f: {  	_ =	shalt  }
0x60: {  	_ =	shalt  }
0x61: {  	_ =	shalt  }
0x62: {  	_ =	shalt  }
0x63: {  	_ =	shalt  }
0x64: {  	_ =	shalt  }
0x65: {  	_ =	shalt  }
0x66: {  	_ =	shalt  }
0x67: {  	_ =	shalt  }
0x68: {  	_ =	shalt  }
0x69: {  	_ =	shalt  }
0x6a: {  	_ =	shalt  }
0x6b: {  	_ =	shalt  }
0x6c: {  	_ =	shalt  }
0x6d: {  	_ =	shalt  }
0x6e: {  	_ =	shalt  }
0x6f: {  	_ =	shalt  }
0x70: {  	_ =	shalt  }
0x71: {  	_ =	shalt  }
0x72: {  	_ =	shalt  }
0x73: {  	_ =	shalt  }
0x74: {  	_ =	shalt  }
0x75: {  	_ =	shalt  }
0x76: {  	_ =	shalt  }
0x77: {  	_ =	shalt  }
0x78: {  	_ =	shalt  }
0x79: {  	_ =	shalt  }
0x7a: {  	_ =	shalt  }
0x7b: {  	_ =	shalt  }
0x7c: {  	_ =	shalt  }
0x7d: {  	_ =	shalt  }
0x7e: {  	_ =	shalt  }
0x7f: {  	_ =	shalt  }
0x80: {  	_ =	shalt  }
0x81: {  	_ =	shalt  }
0x82: {  	_ =	shalt  }
0x83: {  	_ =	shalt  }
0x84: {  	_ =	shalt  }
0x85: {  	_ =	shalt  }
0x86: {  	_ =	shalt  }
0x87: {  	_ =	shalt  }
.Lfunc_end0:
.L_simem_size_0:
called_computation.2_lowered:
.L_overlay_start_0:
0x88: {  	s2 =	sld [smem:$0x3FD9]  }
0x89: {  	s3 =	sld [smem:$0x3FFE];
	_ =	sdelay $0x1  }
0x8a: {  	s1 =	srdreg.scid  }
0x8b: {  	s0 =	sand.u32 $0x1, s1  }
0x8c: {  	s17 =	sshll.u32 s0, $0xA;
	s2 =	sadd.s32 s3, s2  }
0x8d: {  	s2 =	sadd.s32 s2, s17  }
0x8e: {  	[smem:$0x3FC6] =	sst s2  }
0x8f: {  	_ = 	snop  }
0x90: {  	s2 =	sld [smem:$0x3FD0];
	(tm) =	ssettm $0x1  }
0x91: {  	s18 =	sld [smem:$0x3FFB];
	_ =	sdelay $0x3  }
0x92: {  	_ =	strace s18  }
0x93: {  	s3 =	sld [smem:$0x3FFC];
	_ =	sdelay $0x3  }
0x94: {  	_ =	strace s3  }
0x95: {  	s3 =	sld [smem:$0x3FFD];
	_ =	sdelay $0x3  }
0x96: {  	_ =	strace s3  }
0x97: {  	_ =	strace $0x8FFFFFFF  }
0x98: {  	s19 =	sld [smem:$0x3FDB];
	_ =	sdelay $0x1  }
0x99: {  	s4 =	simm.s32 $_scs_section_size  }
0x9a: {  	s5 =	simm.s32 $_size__tile_overlayer_lowered;
	s6 =	simm.s32 $_tile_overlayer_lowered  }
0x9b: {  	s22 =	simm.s32 $0x1BFF;
	s21 =	sshll.u32 s6, $0x1;
	s3 =	sadd.s32 s4, s19  }
0x9c: {  	s7 =	simm.s32 $0x0;
	s20 =	sshll.u32 s5, $0x1;
	s5 =	sadd.s32 s21, s3  }
0x9d: {  	[timem:s7], [sflag:s22] =	dma.local [hbm:s5], s20  }
0x9e: {  	_ =	swait.ge [sflag:s22], s20  }
0x9f: {  	s4 =	ssub.s32 $0x0, s20;
	[sflag:s22] =	ssyncset.done $0x0  }
0xa0: {  	[sflag:s22] =	ssyncadd.s32 s4;
	_ =	sdelay $0x1  }
0xa1: {  	s23 =	simm.s32 $0x1B8B  }
0xa2: {  	_ =	swait.ge [sflag:s23], $0x1  }
0xa3: {  	[sflag:s23] =	ssyncset.done $0x0  }
0xa4: {  	s25 =	simm.s32 $0x1B8E;
	s24 =	sld [smem:$0x3FFE];
	[sflag:s23] =	ssyncadd.s32 $0xFFFFFFFF  }
0xa5: {  	s26 =	simm.s32 $execute0_lowered;
	[smem:$0x3FD2] =	sst s25  }
0xa6: {  	s5 =	sshll.u32 s26, $0x1;
	_ =	strace $0x8000004C;
	[dreg:$0x1] =	wrdreg $0xFFFFFFFF  }
0xa7: {  	s28 =	simm.s32 $_size_execute0_lowered;
	s3 =	sadd.s32 s3, s5;
	[dreg:$0x0] =	wrdreg $0x0  }
0xa8: {  	s5 =	sshll.u32 s28, $0x1;
	[dreg:$0x2] =	wrdreg s3  }
0xa9: {  	[dreg:$0x3] =	wrdreg s5  }
0xaa: {  	[dreg:$0x4] =	wrdreg $0xC0  }
0xab: {  	_ =	task [dreg:s7], $0x5FFFF  }
0xac: {  	[dreg:$0x1] =	wrdreg $0xFFFFFFFF  }
0xad: {  	[dreg:$0x0] =	wrdreg $0x60  }
0xae: {  	[dreg:$0x2] =	wrdreg s24  }
0xaf: {  	[dreg:$0x3] =	wrdreg s2  }
0xb0: {  	[dreg:$0x4] =	wrdreg $0x9  }
0xb1: {  	_ =	task.clear_ibuf [dreg:s7], $0x5FFFF;
	_ =	strace $0x9000004C  }
0xb2: {  	s29 =	simm.s32 $0x9;
	_ =	strace $0x8000004E  }
0xb3: {  	_ =	swait.ge [sflag:s29], $0x1  }
0xb4: {  	[sflag:s29] =	ssyncadd.s32 $0xFFFFFFFF  }
0xb5: {  	_ =	strace $0x9000004E  }
0xb6: {  	_ =	sfence  }
0xb7: {  	s30 =	sld [smem:$0x0];
	_ =	sdelay $0x2  }
0xb8: {  	s31 =	sshll.u32 s1, $0xD;
	s1 =	sshrl.u32 s1, $0x2  }
0xb9: {  	s3 =	sand.u32 $0x4000, s31;
	s1 =	sadd.s32 s1, s30  }
0xba: {  	s0 =	sor.u32 s3, s0;
	s1 =	sshll.u32 s1, $0x11  }
0xbb: {  	s0 =	sor.u32 s1, s0  }
0xbc: {  	s0 =	sadd.s32 $0x8F2B, s0  }
0xbd: {  	[sflag:s0] =	ssyncadd.remote.s32 $0x1  }
0xbe: {  	_ =	sfence.sel $0xFFFF  }
0xbf: {  	[dreg:$0x0] =	wrdreg $0xFFFFFFFF;
	(pc) =	sbr.abs _section_cstart, $3  }
0xc0: {  	[dreg:$0x1] =	wrdreg $0xFFFFFFFF  }
0xc1: {  	_ =	task.clear_ibuf [dreg:s7], $0x2FFFF;
	_ =	strace $0x9FFFFFFF  }
0xc2: {  	(tm) =	ssettm $0x7FFFFFFF  }
0xc3: {  	_ =	shalt  }
tec
execute0_lowered:
.L_overlay_start_1:
0x0: {  	(tag) =	ssettag $0x1  }
0x1: {  	s4 =	rddreg [dreg:$0x0]  }
0x2: {  	s1 =	rddreg [dreg:$0x1]  }
0x3: {  	s2 =	srdreg.scid;
	s0 =	rddreg [dreg:$0x2]  }
0x4: {  	s3 =	simm.s32 $0x0;
	s9 =	simm.s32 $0x10000;
	s5 =	sand.u32 $0x1, s2  }
0x5: {  	s2 =	stileid.u32;
	[smem:$0x7FF] =	sst s3;
	s6 =	sshll.u32 s5, $0x4  }
0x6: {  	s10 =	simm.s32 $0x0;
	_ =	strace $0x8000004D;
	s6 =	sor.u32 s2, s6  }
0x7: {  	s5 =	ssub.s32 $0x2, s5;
	s7 =	sshll.u32 s6, $0xD;
	s6 =	sshll.u32 s6, $0x5  }
0x8: {  	s8 =	sshrl.u32 s5, $0x1;
	s7 =	sadd.s32 s7, s4;
	s6 =	sadd.s32 s6, s4  }
0x9: {  	s8 =	ssub.s32 s5, s8;
	s4 =	sadd.s32 $0x600, s7;
	s5 =	sadd.s32 $0x40800, s6  }
0xa: {  	v0 =	vimm.s32 $0x0;
	v1 =	vimm.s32 $0x1;
	s6 =	smax.u32 s8, $0x1;
	s7 =	simm.s32 $0x1;
	s8 =	simm.s32 $0x10100  }
.LBB2_1:
0xb: {  	[tilespmem:s3], [sflag:$0x1] =	stream.linear.gather [hbm4b:s4+s3], $0x10000, $0x38;
	[tilespmem:$0x10180] =	vst v63  }
0xc: {  	_ =	swait.ge [sflag:s7], $0x10000  }
0xd: {  	[sflag:s7] =	ssyncset.done $0x0  }
0xe: {  	[sflag:s7] =	ssyncadd.s32 $0xFFFF0000  }
0xf: {  	[tilespmem:s8], [sflag:$0x1] =	stream.linear.gather [hbm4b:s1+s3], $0x80, $0x38;
	[tilespmem:$0x10180] =	vst v63  }
0x10: {  	_ =	swait.ge [sflag:s7], $0x80  }
0x11: {  	[sflag:s7] =	ssyncset.done $0x0  }
0x12: {  	[sflag:s7] =	ssyncadd.s32 $0xFFFFFF80  }
0x13: {  	[tilespmem:$0x10000] =	vst v0  }
0x14: {  	[tilespmem:$0x10010] =	vst v0  }
0x15: {  	[tilespmem:$0x10020] =	vst v0  }
0x16: {  	[tilespmem:$0x10030] =	vst v0  }
0x17: {  	[tilespmem:$0x10040] =	vst v0  }
0x18: {  	[tilespmem:$0x10050] =	vst v0  }
0x19: {  	[tilespmem:$0x10060] =	vst v0  }
0x1a: {  	[tilespmem:$0x10070] =	vst v0  }
0x1b: {  	[tilespmem:$0x10080] =	vst v0  }
0x1c: {  	[tilespmem:$0x10090] =	vst v0  }
0x1d: {  	[tilespmem:$0x100A0] =	vst v0  }
0x1e: {  	[tilespmem:$0x100B0] =	vst v0  }
0x1f: {  	[tilespmem:$0x100C0] =	vst v0  }
0x20: {  	[tilespmem:$0x100D0] =	vst v0  }
0x21: {  	[tilespmem:$0x100E0] =	vst v0  }
0x22: {  	s12 =	simm.s32 $0x0;
	s11 =	simm.s32 $0x40;
	[tilespmem:$0x100F0] =	vst v0;
	v2 =	vld [tilespmem:$0x10100]  }
.LBB2_2:
0x23: {  	p0 =	sne.s32 s11, $0x3FFC0;
	v3 =	vld [tilespmem:s12+$0x0];
	_ =	sdelay $0x4  }
0x24: {  	v4 =	vshrl.u32 v3, $0x10  }
0x25: {  	v3 =	vshrl.u32 v3, $0x8;
	vm0 =	veq.s32 v4, v2  }
0x26: {  	v3 =	vand.u32 $0xFF, v3  }
.Ltmp0:
0x27: {  	(pc) =	sbr.rel @p0 .LBB2_2-.Ltmp0, $2  }
0x28: {  	_ =	sdelay $0x2  }
0x29: {  	s12 =	sshra.s32 s11, $0x2;
	s11 =	sadd.s32 $0x40, s11;
	[tilespmem:v3+s9+$0x0] =	vst.idx.add.s32.msk vm0, v1  }
0x2a: {  	v3 =	vld [tilespmem:s12+$0x0];
	_ =	sdelay $0x4  }
0x2b: {  	v4 =	vshrl.u32 v3, $0x10  }
0x2c: {  	v3 =	vshrl.u32 v3, $0x8;
	vm0 =	veq.s32 v4, v2  }
0x2d: {  	v2 =	vand.u32 $0xFF, v3;
	_ =	sdelay $0x2  }
0x2e: {  	s10 =	sadd.s32 $0x1, s10  }
0x2f: {  	p0 =	sne.s32 s10, s6  }
.Ltmp1:
0x30: {  	[tilespmem:v2+s9+$0x0] =	vst.idx.add.s32.msk vm0, v1;
	(pc) =	sbr.rel @p0 .LBB2_1-.Ltmp1, $4  }
0x31: {  	[hbm4b:s5+s3] =	stream.linear.scatter [tilespmem:s9], [sflag:$0x1], $0x100, $0x38;
	[tilespmem:$0x10180] =	vst v63  }
0x32: {  	_ =	swait.ge [sflag:s7], $0x100  }
0x33: {  	[sflag:s7] =	ssyncset.done $0x0  }
0x34: {  	[sflag:s7] =	ssyncadd.s32 $0xFFFFFF00  }
0x35: {  	_ =	sfence.sel $0x180000  }
0x36: {  	[bflag:$0x0] =	sbarrier.arrive $0xFFFF  }
0x37: {  	p0 =	sne.s32 s2, $0x0;
	_ =	strace $0x9000004D  }
0x38: {  	s0 =	sadd.s32 @!p0 $0x100000, s0;
	[bflag:$0x2] =	sbarrier.arrive $0xFFFF  }
0x39: {  	[sflag:s0] =	ssyncadd.tile.s32 @!p0 $0x1;
	_ =	shalt  }
.Lfunc_end2:
_tile_overlayer_lowered:
.L_overlay_start_2:
0x3a: {  	(tag) =	ssettag $0x2  }
0x3b: {  	s0 =	rddreg [dreg:$0x0];
	s2 =	stileid.u32  }
0x3c: {  	s1 =	rddreg [dreg:$0x1];
	p0 =	sne.s32 s2, $0x0  }
0x3d: {  	s3 =	rddreg [dreg:$0x2];
	[bflag:$0x3] =	sbarrier.arrive $0xFFFF;
	s2 =	simm.s32 @!p0 $0x1C01  }
0x3e: {  	[timem:s3], [sflag:s2] =	dma.local @!p0 [hbm:s0], s1  }
0x3f: {  	s0 =	simm.s32 @!p0 $0x1  }
0x40: {  	_ =	swait.ge @!p0 [sflag:s0], s1  }
0x41: {  	s1 =	ssub.s32 @!p0 $0x0, s1;
	[sflag:s0] =	ssyncset.done @!p0 $0x0  }
0x42: {  	[sflag:s0] =	ssyncadd.s32 @!p0 s1  }
0x43: {  	[bflag:$0x3] =	sbarrier.arrive $0xFFFF  }
0x44: {  	_ =	shalt  }

// kernel: branch_0_fun.26.cloned.1.call-start
scs
__scs_entry_jumppad:
0x0: {  	(pc) =	sbr.rel $0x88, $3  }
0x1: {  	(tag) =	ssettag $0x0;
	lr =	simm.s32 $0x1  }
0x2: {  	[smem:$0x3F9F] =	sst lr;
	_ =	strace $0xD0000000  }
0x3: {  	_ = 	snop  }
0x4: {  	_ = 	snop  }
0x5: {  	_ = 	snop  }
0x6: {  	_ = 	snop  }
0x7: {  	_ = 	snop  }
__scs_overlays_trampoline_lowered:
0x8: {  	[smem:$0x3FAE] =	sst s0  }
0x9: {  	[smem:$0x3FAF] =	sst s1  }
0xa: {  	[smem:$0x3FB0] =	sst s2  }
0xb: {  	[smem:$0x3FB1] =	sst s3  }
0xc: {  	[smem:$0x3FB2] =	sst s4  }
0xd: {  	[smem:$0x3FB3] =	sst s5  }
0xe: {  	[smem:$0x3FB4] =	sst s6  }
0xf: {  	[smem:$0x3FB5] =	sst s7  }
0x10: {  	[smem:$0x3FB6] =	sst s8  }
0x11: {  	[smem:$0x3FB7] =	sst s9;
	s0 =	simm.s32 @!p0 $0x0  }
0x12: {  	s1 =	sld [smem:$0x3F9D];
	s0 =	simm.s32 @p0 $0x1  }
0x13: {  	[smem:$0x3FB8] =	sst s0;
	s0 =	simm.s32 @!p1 $0x0  }
0x14: {  	s2 =	sld [smem:$0x3F9C];
	s0 =	simm.s32 @p1 $0x1  }
0x15: {  	[smem:$0x3FB9] =	sst s0;
	s0 =	simm.s32 @!p2 $0x0  }
0x16: {  	s3 =	sld [smem:$0x3FDB];
	s0 =	simm.s32 @p2 $0x1  }
0x17: {  	s4 =	simm.s32 $0x1BF5;
	[smem:$0x3FBB] =	sst s0  }
0x18: {  	s0 =	sld [smem:$0x3F9E];
	_ =	swait.ge [sflag:s4], $0x0  }
0x19: {  	s7 =	sld [smem:$0x3F9F]  }
0x1a: {  	s8 =	sadd.s32 $0xFFFFE003, lr  }
0x1b: {  	s9 =	sadd.s32 $0xFFFFFEF7, lr;
	s5 =	simm.s32 $0xFFFFFFFF;
	p2 =	slt.u32 s8, $0xFFFFF086  }
0x1c: {  	p1 =	slt.u32 s9, $0xF7A;
	s5 =	simm.s32 @!p2 $0x0  }
0x1d: {  	s5 =	simm.s32 @p1 $0x1;
	p0 =	seq.s32 s7, s2  }
0x1e: {  	s7 =	smul.u32 @!p0 $0xF7A, s2;
	p2 =	seq.s32 @!p0 s5, $0x0  }
0x1f: {  	s9 =	smul.u32 $0xF7A, s1;
	s8 =	simm.s32 @!p0 $0x1BF5;
	p2 =	por !p2, p0  }
0x20: {  	[sflag:s8] =	ssyncset.s32 @!p0 $0xFFFFF086;
	s6 =	sadd.s32 @!p0 s3, s7;
	s7 =	simm.s32 @!p0 $0x108  }
0x21: {  	s3 =	sadd.s32 s3, s9;
	s6 =	sadd.s32 @!p0 $0x88, s6;
	s7 =	simm.s32 @p2 $0x1082  }
0x22: {  	[simem:s7], [sflag:s8] =	dma.local @!p0 [hbm:s6], $0xF7A  }
0x23: {  	s9 =	sor.u32 $0xD0000000, s2;
	s6 =	simm.s32 $0x108;
	_ =	swait.ge @!p0 [sflag:s8], $0x0  }
0x24: {  	s3 =	sadd.s32 $0x88, s3;
	s6 =	simm.s32 @!p1 $0x1082;
	[sflag:s4] =	ssyncset.s32 $0xFFFFF086  }
0x25: {  	[simem:s6], [sflag:s4] =	dma.local [hbm:s3], $0xF7A  }
0x26: {  	[smem:$0x3F9F] =	sst s1;
	(tag) =	ssettag s2;
	_ =	strace s9  }
0x27: {  	s1 =	sld [smem:$0x3FAF]  }
0x28: {  	s2 =	sld [smem:$0x3FB0]  }
0x29: {  	s4 =	sld [smem:$0x3FB2]  }
0x2a: {  	p0 =	seq.s32 s5, $0x0;
	s5 =	sld [smem:$0x3FB3]  }
0x2b: {  	s6 =	sld [smem:$0x3FB4]  }
0x2c: {  	s7 =	sld [smem:$0x3FB5]  }
0x2d: {  	s3 =	simm.s32 $0x108;
	s8 =	sld [smem:$0x3FB6]  }
0x2e: {  	s3 =	simm.s32 @!p0 $0x1082;
	s9 =	sld [smem:$0x3FB7]  }
0x2f: {  	lr =	sadd.s32 s0, s3;
	s0 =	sld [smem:$0x3FAE]  }
0x30: {  	s3 =	sld [smem:$0x3FB1]  }
0x31: {  	[smem:$0x3FBA] =	sst s10  }
0x32: {  	s10 =	sld [smem:$0x3FB8];
	_ =	sdelay $0x3  }
0x33: {  	p0 =	seq.s32 s10, $0x1;
	s10 =	sld [smem:$0x3FBA];
	_ =	sdelay $0x3  }
0x34: {  	[smem:$0x3FBA] =	sst s10  }
0x35: {  	s10 =	sld [smem:$0x3FB9];
	_ =	sdelay $0x3  }
0x36: {  	p1 =	seq.s32 s10, $0x1;
	s10 =	sld [smem:$0x3FBA];
	_ =	sdelay $0x3  }
0x37: {  	[smem:$0x3FBA] =	sst s10  }
0x38: {  	s10 =	sld [smem:$0x3FBB]  }
0x39: {  	_ = 	snop;
	(pc) =	sbr.ind lr, $3  }
0x3a: {  	_ = 	snop  }
0x3b: {  	_ = 	snop  }
0x3c: {  	p2 =	seq.s32 s10, $0x1;
	s10 =	sld [smem:$0x3FBA]  }
0x3d: {  	_ =	shalt  }
0x3e: {  	_ =	shalt  }
0x3f: {  	_ =	shalt  }
0x40: {  	_ =	shalt  }
0x41: {  	_ =	shalt  }
0x42: {  	_ =	shalt  }
0x43: {  	_ =	shalt  }
0x44: {  	_ =	shalt  }
0x45: {  	_ =	shalt  }
0x46: {  	_ =	shalt  }
0x47: {  	_ =	shalt  }
0x48: {  	_ =	shalt  }
0x49: {  	_ =	shalt  }
0x4a: {  	_ =	shalt  }
0x4b: {  	_ =	shalt  }
0x4c: {  	_ =	shalt  }
0x4d: {  	_ =	shalt  }
0x4e: {  	_ =	shalt  }
0x4f: {  	_ =	shalt  }
0x50: {  	_ =	shalt  }
0x51: {  	_ =	shalt  }
0x52: {  	_ =	shalt  }
0x53: {  	_ =	shalt  }
0x54: {  	_ =	shalt  }
0x55: {  	_ =	shalt  }
0x56: {  	_ =	shalt  }
0x57: {  	_ =	shalt  }
0x58: {  	_ =	shalt  }
0x59: {  	_ =	shalt  }
0x5a: {  	_ =	shalt  }
0x5b: {  	_ =	shalt  }
0x5c: {  	_ =	shalt  }
0x5d: {  	_ =	shalt  }
0x5e: {  	_ =	shalt  }
0x5f: {  	_ =	shalt  }
0x60: {  	_ =	shalt  }
0x61: {  	_ =	shalt  }
0x62: {  	_ =	shalt  }
0x63: {  	_ =	shalt  }
0x64: {  	_ =	shalt  }
0x65: {  	_ =	shalt  }
0x66: {  	_ =	shalt  }
0x67: {  	_ =	shalt  }
0x68: {  	_ =	shalt  }
0x69: {  	_ =	shalt  }
0x6a: {  	_ =	shalt  }
0x6b: {  	_ =	shalt  }
0x6c: {  	_ =	shalt  }
0x6d: {  	_ =	shalt  }
0x6e: {  	_ =	shalt  }
0x6f: {  	_ =	shalt  }
0x70: {  	_ =	shalt  }
0x71: {  	_ =	shalt  }
0x72: {  	_ =	shalt  }
0x73: {  	_ =	shalt  }
0x74: {  	_ =	shalt  }
0x75: {  	_ =	shalt  }
0x76: {  	_ =	shalt  }
0x77: {  	_ =	shalt  }
0x78: {  	_ =	shalt  }
0x79: {  	_ =	shalt  }
0x7a: {  	_ =	shalt  }
0x7b: {  	_ =	shalt  }
0x7c: {  	_ =	shalt  }
0x7d: {  	_ =	shalt  }
0x7e: {  	_ =	shalt  }
0x7f: {  	_ =	shalt  }
0x80: {  	_ =	shalt  }
0x81: {  	_ =	shalt  }
0x82: {  	_ =	shalt  }
0x83: {  	_ =	shalt  }
0x84: {  	_ =	shalt  }
0x85: {  	_ =	shalt  }
0x86: {  	_ =	shalt  }
0x87: {  	_ =	shalt  }
.Lfunc_end0:
.L_simem_size_0:
called_computation.3_lowered:
.L_overlay_start_0:
0x88: {  	s2 =	sld [smem:$0x3FD9]  }
0x89: {  	s3 =	sld [smem:$0x3FFE];
	_ =	sdelay $0x1  }
0x8a: {  	s1 =	srdreg.scid  }
0x8b: {  	s0 =	sand.u32 $0x1, s1  }
0x8c: {  	s17 =	sshll.u32 s0, $0xA;
	s2 =	sadd.s32 s3, s2  }
0x8d: {  	s2 =	sadd.s32 s2, s17  }
0x8e: {  	[smem:$0x3FC6] =	sst s2  }
0x8f: {  	_ = 	snop  }
0x90: {  	s2 =	sld [smem:$0x3FD0];
	(tm) =	ssettm $0x1  }
0x91: {  	s18 =	sld [smem:$0x3FFB];
	_ =	sdelay $0x3  }
0x92: {  	_ =	strace s18  }
0x93: {  	s3 =	sld [smem:$0x3FFC];
	_ =	sdelay $0x3  }
0x94: {  	_ =	strace s3  }
0x95: {  	s3 =	sld [smem:$0x3FFD];
	_ =	sdelay $0x3  }
0x96: {  	_ =	strace s3  }
0x97: {  	_ =	strace $0x8FFFFFFF  }
0x98: {  	s19 =	sld [smem:$0x3FDB];
	_ =	sdelay $0x1  }
0x99: {  	s4 =	simm.s32 $_scs_section_size  }
0x9a: {  	s5 =	simm.s32 $_size__tile_overlayer_lowered;
	s6 =	simm.s32 $_tile_overlayer_lowered  }
0x9b: {  	s22 =	simm.s32 $0x1BFF;
	s21 =	sshll.u32 s6, $0x1;
	s3 =	sadd.s32 s4, s19  }
0x9c: {  	s7 =	simm.s32 $0x0;
	s20 =	sshll.u32 s5, $0x1;
	s5 =	sadd.s32 s21, s3  }
0x9d: {  	[timem:s7], [sflag:s22] =	dma.local [hbm:s5], s20  }
0x9e: {  	_ =	swait.ge [sflag:s22], s20  }
0x9f: {  	s4 =	ssub.s32 $0x0, s20;
	[sflag:s22] =	ssyncset.done $0x0  }
0xa0: {  	[sflag:s22] =	ssyncadd.s32 s4;
	_ =	sdelay $0x1  }
0xa1: {  	s23 =	simm.s32 $0x1B8B  }
0xa2: {  	_ =	swait.ge [sflag:s23], $0x1  }
0xa3: {  	[sflag:s23] =	ssyncset.done $0x0  }
0xa4: {  	s25 =	simm.s32 $0x1B8E;
	s24 =	sld [smem:$0x3FFE];
	[sflag:s23] =	ssyncadd.s32 $0xFFFFFFFF  }
0xa5: {  	s26 =	simm.s32 $execute0_lowered;
	[smem:$0x3FD2] =	sst s25  }
0xa6: {  	s5 =	sshll.u32 s26, $0x1;
	_ =	strace $0x8000004F;
	[dreg:$0x1] =	wrdreg $0xFFFFFFFF  }
0xa7: {  	s28 =	simm.s32 $_size_execute0_lowered;
	s3 =	sadd.s32 s3, s5;
	[dreg:$0x0] =	wrdreg $0x0  }
0xa8: {  	s5 =	sshll.u32 s28, $0x1;
	[dreg:$0x2] =	wrdreg s3  }
0xa9: {  	[dreg:$0x3] =	wrdreg s5  }
0xaa: {  	[dreg:$0x4] =	wrdreg $0xC0  }
0xab: {  	_ =	task [dreg:s7], $0x5FFFF  }
0xac: {  	[dreg:$0x1] =	wrdreg $0xFFFFFFFF  }
0xad: {  	[dreg:$0x0] =	wrdreg $0x60  }
0xae: {  	[dreg:$0x2] =	wrdreg s24  }
0xaf: {  	[dreg:$0x3] =	wrdreg s2  }
0xb0: {  	[dreg:$0x4] =	wrdreg $0x9  }
0xb1: {  	_ =	task.clear_ibuf [dreg:s7], $0x5FFFF;
	_ =	strace $0x9000004F  }
0xb2: {  	s29 =	simm.s32 $0x9;
	_ =	strace $0x80000051  }
0xb3: {  	_ =	swait.ge [sflag:s29], $0x1  }
0xb4: {  	[sflag:s29] =	ssyncadd.s32 $0xFFFFFFFF  }
0xb5: {  	_ =	strace $0x90000051  }
0xb6: {  	_ =	sfence  }
0xb7: {  	s30 =	sld [smem:$0x0];
	_ =	sdelay $0x2  }
0xb8: {  	s31 =	sshll.u32 s1, $0xD;
	s1 =	sshrl.u32 s1, $0x2  }
0xb9: {  	s3 =	sand.u32 $0x4000, s31;
	s1 =	sadd.s32 s1, s30  }
0xba: {  	s0 =	sor.u32 s3, s0;
	s1 =	sshll.u32 s1, $0x11  }
0xbb: {  	s0 =	sor.u32 s1, s0  }
0xbc: {  	s0 =	sadd.s32 $0x8F2B, s0  }
0xbd: {  	[sflag:s0] =	ssyncadd.remote.s32 $0x1  }
0xbe: {  	_ =	sfence.sel $0xFFFF  }
0xbf: {  	[dreg:$0x0] =	wrdreg $0xFFFFFFFF;
	(pc) =	sbr.abs _section_cstart, $3  }
0xc0: {  	[dreg:$0x1] =	wrdreg $0xFFFFFFFF  }
0xc1: {  	_ =	task.clear_ibuf [dreg:s7], $0x2FFFF;
	_ =	strace $0x9FFFFFFF  }
0xc2: {  	(tm) =	ssettm $0x7FFFFFFF  }
0xc3: {  	_ =	shalt  }
tec
execute0_lowered:
.L_overlay_start_1:
0x0: {  	(tag) =	ssettag $0x1  }
0x1: {  	s4 =	rddreg [dreg:$0x0]  }
0x2: {  	s1 =	rddreg [dreg:$0x1]  }
0x3: {  	s2 =	srdreg.scid;
	s0 =	rddreg [dreg:$0x2]  }
0x4: {  	s3 =	simm.s32 $0x0;
	s9 =	simm.s32 $0x10000;
	s5 =	sand.u32 $0x1, s2  }
0x5: {  	s2 =	stileid.u32;
	[smem:$0x7FF] =	sst s3;
	s6 =	sshll.u32 s5, $0x4  }
0x6: {  	s10 =	simm.s32 $0x0;
	_ =	strace $0x80000050;
	s6 =	sor.u32 s2, s6  }
0x7: {  	s5 =	ssub.s32 $0x2, s5;
	s7 =	sshll.u32 s6, $0xD;
	s6 =	sshll.u32 s6, $0x5  }
0x8: {  	s8 =	sshrl.u32 s5, $0x1;
	s7 =	sadd.s32 s7, s4;
	s6 =	sadd.s32 s6, s4  }
0x9: {  	s8 =	ssub.s32 s5, s8;
	s4 =	sadd.s32 $0x600, s7;
	s5 =	sadd.s32 $0x40800, s6  }
0xa: {  	v0 =	vimm.s32 $0x0;
	v1 =	vimm.s32 $0x1;
	s6 =	smax.u32 s8, $0x1;
	s7 =	simm.s32 $0x1;
	s8 =	simm.s32 $0x10100  }
.LBB2_1:
0xb: {  	[tilespmem:s3], [sflag:$0x1] =	stream.linear.gather [hbm4b:s4+s3], $0x10000, $0x38;
	[tilespmem:$0x10180] =	vst v63  }
0xc: {  	_ =	swait.ge [sflag:s7], $0x10000  }
0xd: {  	[sflag:s7] =	ssyncset.done $0x0  }
0xe: {  	[sflag:s7] =	ssyncadd.s32 $0xFFFF0000  }
0xf: {  	[tilespmem:s8], [sflag:$0x1] =	stream.linear.gather [hbm4b:s1+s3], $0x80, $0x38;
	[tilespmem:$0x10180] =	vst v63  }
0x10: {  	_ =	swait.ge [sflag:s7], $0x80  }
0x11: {  	[sflag:s7] =	ssyncset.done $0x0  }
0x12: {  	[sflag:s7] =	ssyncadd.s32 $0xFFFFFF80  }
0x13: {  	[tilespmem:$0x10000] =	vst v0  }
0x14: {  	[tilespmem:$0x10010] =	vst v0  }
0x15: {  	[tilespmem:$0x10020] =	vst v0  }
0x16: {  	[tilespmem:$0x10030] =	vst v0  }
0x17: {  	[tilespmem:$0x10040] =	vst v0  }
0x18: {  	[tilespmem:$0x10050] =	vst v0  }
0x19: {  	[tilespmem:$0x10060] =	vst v0  }
0x1a: {  	[tilespmem:$0x10070] =	vst v0  }
0x1b: {  	[tilespmem:$0x10080] =	vst v0  }
0x1c: {  	[tilespmem:$0x10090] =	vst v0  }
0x1d: {  	[tilespmem:$0x100A0] =	vst v0  }
0x1e: {  	[tilespmem:$0x100B0] =	vst v0  }
0x1f: {  	[tilespmem:$0x100C0] =	vst v0  }
0x20: {  	[tilespmem:$0x100D0] =	vst v0  }
0x21: {  	[tilespmem:$0x100E0] =	vst v0  }
0x22: {  	s12 =	simm.s32 $0x0;
	s11 =	simm.s32 $0x40;
	[tilespmem:$0x100F0] =	vst v0;
	v2 =	vld [tilespmem:$0x10100]  }
.LBB2_2:
0x23: {  	p0 =	sne.s32 s11, $0x3FFC0;
	v3 =	vld [tilespmem:s12+$0x0];
	_ =	sdelay $0x4  }
0x24: {  	v4 =	vshrl.u32 v3, $0x8  }
0x25: {  	vm0 =	veq.s32 v4, v2  }
0x26: {  	v3 =	vand.u32 $0xFF, v3  }
.Ltmp0:
0x27: {  	(pc) =	sbr.rel @p0 .LBB2_2-.Ltmp0, $2  }
0x28: {  	_ =	sdelay $0x2  }
0x29: {  	s12 =	sshra.s32 s11, $0x2;
	s11 =	sadd.s32 $0x40, s11;
	[tilespmem:v3+s9+$0x0] =	vst.idx.add.s32.msk vm0, v1  }
0x2a: {  	v3 =	vld [tilespmem:s12+$0x0];
	_ =	sdelay $0x4  }
0x2b: {  	v4 =	vshrl.u32 v3, $0x8  }
0x2c: {  	vm0 =	veq.s32 v4, v2  }
0x2d: {  	v2 =	vand.u32 $0xFF, v3;
	_ =	sdelay $0x2  }
0x2e: {  	s10 =	sadd.s32 $0x1, s10  }
0x2f: {  	p0 =	sne.s32 s10, s6  }
.Ltmp1:
0x30: {  	[tilespmem:v2+s9+$0x0] =	vst.idx.add.s32.msk vm0, v1;
	(pc) =	sbr.rel @p0 .LBB2_1-.Ltmp1, $4  }
0x31: {  	[hbm4b:s5+s3] =	stream.linear.scatter [tilespmem:s9], [sflag:$0x1], $0x100, $0x38;
	[tilespmem:$0x10180] =	vst v63  }
0x32: {  	_ =	swait.ge [sflag:s7], $0x100  }
0x33: {  	[sflag:s7] =	ssyncset.done $0x0  }
0x34: {  	[sflag:s7] =	ssyncadd.s32 $0xFFFFFF00  }
0x35: {  	_ =	sfence.sel $0x180000  }
0x36: {  	[bflag:$0x0] =	sbarrier.arrive $0xFFFF  }
0x37: {  	p0 =	sne.s32 s2, $0x0;
	_ =	strace $0x90000050  }
0x38: {  	s0 =	sadd.s32 @!p0 $0x100000, s0;
	[bflag:$0x2] =	sbarrier.arrive $0xFFFF  }
0x39: {  	[sflag:s0] =	ssyncadd.tile.s32 @!p0 $0x1;
	_ =	shalt  }
.Lfunc_end2:
_tile_overlayer_lowered:
.L_overlay_start_2:
0x3a: {  	(tag) =	ssettag $0x2  }
0x3b: {  	s0 =	rddreg [dreg:$0x0];
	s2 =	stileid.u32  }
0x3c: {  	s1 =	rddreg [dreg:$0x1];
	p0 =	sne.s32 s2, $0x0  }
0x3d: {  	s3 =	rddreg [dreg:$0x2];
	[bflag:$0x3] =	sbarrier.arrive $0xFFFF;
	s2 =	simm.s32 @!p0 $0x1C01  }
0x3e: {  	[timem:s3], [sflag:s2] =	dma.local @!p0 [hbm:s0], s1  }
0x3f: {  	s0 =	simm.s32 @!p0 $0x1  }
0x40: {  	_ =	swait.ge @!p0 [sflag:s0], s1  }
0x41: {  	s1 =	ssub.s32 @!p0 $0x0, s1;
	[sflag:s0] =	ssyncset.done @!p0 $0x0  }
0x42: {  	[sflag:s0] =	ssyncadd.s32 @!p0 s1  }
0x43: {  	[bflag:$0x3] =	sbarrier.arrive $0xFFFF  }
0x44: {  	_ =	shalt  }

</sc_bundles>
